<compile_context>
chip_gen: v7x
topology: tpu7x:2x2x1
jax: 0.10.2.dev20260603
libtpu: 0.0.44.dev20260713+nightly
codegen_flags: <defaults>
</compile_context>

<pallas_src>
import dataclasses
import functools
import math

import jax
import jax.numpy as jnp
from jax import lax
from jax.experimental import pallas as pl
from jax.experimental.pallas import tpu as pltpu
from jax.experimental.pallas import tpu_sc as plsc

NUM_CORES = 2
NUM_SUBCORES = 16
CHUNK = 128
LANES = 16
BLK_CH = 16
NBUF = 2


def _sc_segment_sums(x_flat, idx_all, idx_flat, n_dst, chunks, z_rows):
    d = x_flat.shape[1]
    zero_base = x_flat.shape[0] - z_rows
    sp_rows = NUM_SUBCORES * z_rows
    blocks = chunks // BLK_CH

    mesh = plsc.VectorSubcoreMesh(core_axis_name="c", subcore_axis_name="s")

    cp = pltpu.CompilerParams()
    if "needs_layout_passes" in pltpu.CompilerParams.__dataclass_fields__:
        cp = dataclasses.replace(cp, needs_layout_passes=False)

    @functools.partial(
        pl.kernel,
        compiler_params=cp,
        out_type=[
            jax.ShapeDtypeStruct((2, sp_rows, d), jnp.float32),
            jax.ShapeDtypeStruct((2, NUM_SUBCORES, sp_rows), jnp.float32),
        ],
        mesh=mesh,
        scratch_types=[
            pltpu.VMEM((2, BLK_CH, CHUNK), jnp.int32),
            pltpu.VMEM((BLK_CH * CHUNK,), jnp.int32),
            pltpu.VMEM((NBUF, CHUNK, d), jnp.float32),
            pltpu.VMEM((sp_rows,), jnp.float32),
            pltpu.VMEM_SHARED((sp_rows, d), jnp.float32),
            pltpu.SemaphoreType.DMA,
            pltpu.SemaphoreType.DMA,
        ],
    )
    def k(x_hbm, idx_hbm, idxf_hbm, agg_hbm, cnt_hbm,
          idx_v, dst_f, rows, cnt_l, agg_sh, sem0, sem1):
        c = lax.axis_index("c")
        s = lax.axis_index("s")
        sems = [sem0, sem1]

        @pl.loop(0, sp_rows // LANES)
        def _(i):
            cnt_l[pl.ds(i * LANES, LANES)] = jnp.zeros((LANES,), jnp.float32)

        pltpu.sync_copy(x_hbm.at[pl.ds(zero_base, z_rows)],
                        agg_sh.at[pl.ds(s * z_rows, z_rows)])
        plsc.subcore_barrier()

        ones = jnp.full((LANES,), 1.0, jnp.float32)

        @pl.loop(0, blocks)
        def _(b):
            pltpu.sync_copy(
                idx_hbm.at[c].at[s].at[:, pl.ds(b * BLK_CH, BLK_CH), :],
                idx_v)
            pltpu.sync_copy(
                idxf_hbm.at[c].at[s].at[1].at[
                    pl.ds(b * BLK_CH * CHUNK, BLK_CH * CHUNK)],
                dst_f)

            for t in range(NBUF):
                pltpu.async_copy(x_hbm.at[idx_v.at[0].at[t]], rows.at[t],
                                 sems[t])

            @pl.loop(0, BLK_CH // NBUF)
            def _(g):
                for t in range(NBUF):
                    j = g * NBUF + t
                    pltpu.make_async_copy(x_hbm.at[idx_v.at[0].at[j]],
                                          rows.at[t], sems[t]).wait()
                    pltpu.sync_copy(rows.at[t],
                                    agg_sh.at[idx_v.at[1].at[j]], add=True)
                    @pl.when(g < BLK_CH // NBUF - 1)
                    def _():
                        pltpu.async_copy(
                            x_hbm.at[idx_v.at[0].at[j + NBUF]],
                            rows.at[t], sems[t])
                    for l in range(CHUNK // LANES):
                        idx16 = dst_f[pl.ds(j * CHUNK + l * LANES, LANES)]
                        plsc.addupdate_scatter(cnt_l, [idx16], ones)

        plsc.subcore_barrier()

        pltpu.sync_copy(agg_sh.at[pl.ds(s * z_rows, z_rows)],
                        agg_hbm.at[c].at[pl.ds(s * z_rows, z_rows)])
        pltpu.sync_copy(cnt_l, cnt_hbm.at[c].at[s])

    return k(x_flat, idx_all, idx_flat)


def _tc_combine(agg, cnt, x_paper,
                W_pp_nbr, W_ap_nbr, W_pp_self, W_ap_self, b_pp, b_ap):
    n, d = x_paper.shape
    blk = 1024
    grid = (math.ceil(n / blk),)
    agg_spec = pl.BlockSpec((1, blk, d), lambda i: (0, i, 0))
    agg_spec2 = pl.BlockSpec((1, blk, d), lambda i: (1, i, 0))
    cnt_spec = pl.BlockSpec((1, NUM_SUBCORES, blk), lambda i: (0, 0, i))
    cnt_spec2 = pl.BlockSpec((1, NUM_SUBCORES, blk), lambda i: (1, 0, i))
    row_spec = pl.BlockSpec((blk, d), lambda i: (i, 0))
    w_spec = pl.BlockSpec((d, d), lambda i: (0, 0))
    b_spec = pl.BlockSpec((1, d), lambda i: (0, 0))

    def body(app, aap, cpp, cap, xp, wpn, wan, wps, was, bpp, bap, out):
        inv_pp = 1.0 / jnp.maximum(jnp.sum(cpp[0], axis=0), 1.0)[:, None]
        inv_ap = 1.0 / jnp.maximum(jnp.sum(cap[0], axis=0), 1.0)[:, None]
        dot = functools.partial(jax.lax.dot,
                                precision=jax.lax.Precision.HIGHEST,
                                preferred_element_type=jnp.float32)
        acc = dot(app[0] * inv_pp, wpn[...])
        acc = acc + dot(aap[0] * inv_ap, wan[...])
        acc = acc + dot(xp[...], wps[...] + was[...])
        out[...] = acc + bpp[...] + bap[...]

    return pl.pallas_call(
        body,
        grid=grid,
        in_specs=[agg_spec, agg_spec2, cnt_spec, cnt_spec2, row_spec,
                  w_spec, w_spec, w_spec, w_spec, b_spec, b_spec],
        out_specs=row_spec,
        out_shape=jax.ShapeDtypeStruct((n, d), jnp.float32),
    )(agg, agg, cnt, cnt, x_paper,
      W_pp_nbr, W_ap_nbr, W_pp_self, W_ap_self,
      b_pp.reshape(1, d), b_ap.reshape(1, d))


def _pad_edges(ei, n_dst, chunks, src_offset):
    e = ei.shape[1]
    total = NUM_SUBCORES * chunks * CHUNK
    pad = total - e
    shape = (NUM_SUBCORES, chunks, CHUNK)
    src = jnp.concatenate(
        [ei[0] + src_offset, jnp.zeros((pad,), jnp.int32)]).reshape(shape)
    dst = jnp.concatenate(
        [ei[1], jnp.full((pad,), n_dst, jnp.int32)]).reshape(shape)
    return jnp.stack([src, dst], axis=1)


def kernel(x_paper, x_author, edge_index_paper_cites_paper,
           edge_index_author_writes_paper, W_pp_self, W_pp_nbr, b_pp,
           W_ap_self, W_ap_nbr, b_ap):
    n_dst = x_paper.shape[0]
    d = x_paper.shape[1]
    e = edge_index_paper_cites_paper.shape[1]
    chunks = BLK_CH * math.ceil(
        math.ceil(e / NUM_SUBCORES) / (CHUNK * BLK_CH))
    z_rows = 8 * math.ceil((n_dst + 1) / (8 * NUM_SUBCORES))

    x_flat = jnp.concatenate(
        [x_paper, x_author, jnp.zeros((z_rows, d), jnp.float32)], axis=0)
    idx_pp = _pad_edges(edge_index_paper_cites_paper, n_dst, chunks, 0)
    idx_ap = _pad_edges(edge_index_author_writes_paper, n_dst, chunks, n_dst)
    idx_all = jnp.stack([idx_pp, idx_ap], axis=0)
    idx_flat = idx_all.reshape(2, NUM_SUBCORES, 2, chunks * CHUNK)

    agg, cnt = _sc_segment_sums(x_flat, idx_all, idx_flat, n_dst, chunks,
                                z_rows)

    return _tc_combine(agg, cnt, x_paper,
                       W_pp_nbr, W_ap_nbr, W_pp_self, W_ap_self, b_pp, b_ap)

# --- scband reference (transcript-rebuilt; emitter-appended) ---
"""Pipeline reference for scband-hetero-conv-28269474742454 (READ-ONLY COPY).

The authoritative reference and input builder live on the scoring server;
editing this copy changes nothing except your own understanding.
"""

import jax, jax.numpy as jnp
import numpy as np

N_PAPER = 10000
N_AUTHOR = 10000
E = 320000
D_IN = 128
D_OUT = 128


def _sage_conv(x_src, x_dst, edge_index, W_self, W_nbr, b):
    # Bipartite GraphSAGE-style conv: mean-aggregate neighbor features, then linear.
    src = edge_index[0]
    dst = edge_index[1]
    num_dst = x_dst.shape[0]
    msg = jnp.take(x_src, src, axis=0)                      # gather [E, D_IN]
    agg = jax.ops.segment_sum(msg, dst, num_segments=num_dst)  # scatter-add
    cnt = jax.ops.segment_sum(jnp.ones((edge_index.shape[1],), jnp.float32), dst, num_segments=num_dst)
    mean = agg / jnp.maximum(cnt, 1.0)[:, None]
    return mean @ W_nbr + x_dst @ W_self + b


def setup_inputs(seed: int = 0) -> dict:
    key = jax.random.key(seed)
    ks = jax.random.split(key, 12)
    x_paper = jax.random.normal(ks[0], (N_PAPER, D_IN), dtype=jnp.float32)
    x_author = jax.random.normal(ks[1], (N_AUTHOR, D_IN), dtype=jnp.float32)
    ei_pp = jax.random.randint(ks[2], (2, E), 0, N_PAPER, dtype=jnp.int32)
    ei_ap = jnp.stack([
        jax.random.randint(ks[3], (E,), 0, N_AUTHOR, dtype=jnp.int32),
        jax.random.randint(ks[4], (E,), 0, N_PAPER, dtype=jnp.int32),
    ], axis=0)
    s = 1.0 / np.sqrt(D_IN)
    W_pp_self = jax.random.uniform(ks[5], (D_IN, D_OUT), minval=-s, maxval=s, dtype=jnp.float32)
    W_pp_nbr = jax.random.uniform(ks[6], (D_IN, D_OUT), minval=-s, maxval=s, dtype=jnp.float32)
    b_pp = jax.random.uniform(ks[7], (D_OUT,), minval=-s, maxval=s, dtype=jnp.float32)
    W_ap_self = jax.random.uniform(ks[8], (D_IN, D_OUT), minval=-s, maxval=s, dtype=jnp.float32)
    W_ap_nbr = jax.random.uniform(ks[9], (D_IN, D_OUT), minval=-s, maxval=s, dtype=jnp.float32)
    b_ap = jax.random.uniform(ks[10], (D_OUT,), minval=-s, maxval=s, dtype=jnp.float32)
    return {
        "x_paper": x_paper,
        "x_author": x_author,
        "edge_index_paper_cites_paper": ei_pp,
        "edge_index_author_writes_paper": ei_ap,
        "W_pp_self": W_pp_self,
        "W_pp_nbr": W_pp_nbr,
        "b_pp": b_pp,
        "W_ap_self": W_ap_self,
        "W_ap_nbr": W_ap_nbr,
        "b_ap": b_ap,
    }


def reference(x_paper, x_author, edge_index_paper_cites_paper, edge_index_author_writes_paper,
              W_pp_self, W_pp_nbr, b_pp, W_ap_self, W_ap_nbr, b_ap):
    # HeteroConv over two relations, both targeting 'paper'; aggr='sum'.
    out_pp = _sage_conv(x_paper, x_paper, edge_index_paper_cites_paper, W_pp_self, W_pp_nbr, b_pp)
    out_ap = _sage_conv(x_author, x_paper, edge_index_author_writes_paper, W_ap_self, W_ap_nbr, b_ap)
    out_paper = out_pp + out_ap  # group(..., aggr='sum')
    return out_paper

if __name__ == "__main__":
    import jax
    _d = setup_inputs()
    print(jax.jit(kernel)(*tuple(_d.values())))

</pallas_src>

<mosaic_0001>
#map = affine_map<(d0, d1) -> (0, 0)>
#map1 = affine_map<(d0, d1) -> (0, 0, 0, 0, 0)>
#map2 = affine_map<(d0, d1) -> (0, 0, 0, 0)>
#map3 = affine_map<(d0, d1) -> (0, 0, 0)>
module attributes {stable_mosaic.version = 14 : i64} {
  func.func @k(%arg0: i32, %arg1: i32, %arg2: memref<20632x128xf32, #tpu.memory_space<hbm>>, %arg3: memref<2x16x2x160x128xi32, #tpu.memory_space<hbm>>, %arg4: memref<2x16x2x20480xi32, #tpu.memory_space<hbm>>, %arg5: memref<2x10112x128xf32, #tpu.memory_space<hbm>>, %arg6: memref<2x16x10112xf32, #tpu.memory_space<hbm>>, %arg7: memref<2x16x128xi32, #tpu.memory_space<vmem>>, %arg8: memref<2048xi32, #tpu.memory_space<vmem>>, %arg9: memref<2x128x128xf32, #tpu.memory_space<vmem>>, %arg10: memref<10112xf32, #tpu.memory_space<vmem>>, %arg11: memref<10112x128xf32, #tpu.memory_space<vmem_shared>>, %arg12: memref<!tpu.dma_semaphore, #tpu.memory_space<semaphore_mem>>, %arg13: memref<!tpu.dma_semaphore, #tpu.memory_space<semaphore_mem>>) attributes {dimension_semantics = [#tpu.dimension_semantics<core_parallel>, #tpu.dimension_semantics<subcore_parallel>], iteration_bounds = array<i64: 2, 16>, scalar_prefetch = 0 : i64, scratch_operands = 7 : i64, tpu.core_type = #tpu.core_type<sc_vector_subcore>, window_params = [{transform_indices = #map}, {transform_indices = #map1}, {transform_indices = #map2}, {transform_indices = #map3}, {transform_indices = #map3}]} {
    %scan3A = arith.constant 0 : i32
    %scan3A_0 = arith.constant 632 : i32
    %scan3A_1 = arith.addi %scan3A, %scan3A_0 : i32
    %scan3A_2 = arith.constant 1 : i32
    scf.for %scan3A_16 = %scan3A to %scan3A_1 step %scan3A_2  : i32 {
      %mul3A_17 = arith.constant 1 : i32
      %mul3A_18 = arith.muli %scan3A_16, %mul3A_17 : i32
      %add3A = arith.constant 0 : i32
      %add3A_19 = arith.addi %add3A, %mul3A_18 : i32
      %broadcast_in_dim3A_20 = arith.constant 0.000000e+00 : f32
      %broadcast_in_dim3A_21 = vector.broadcast %broadcast_in_dim3A_20 : f32 to vector<16xf32>
      %mul3A_22 = arith.constant 16 : i32
      %mul3A_23 = arith.muli %add3A_19, %mul3A_22 : i32
      %swap3A = arith.index_cast %mul3A_23 : i32 to index
      %swap3A_24 = tpu.vector_load %arg10[%swap3A] {strides = array<i32>} : memref<10112xf32, #tpu.memory_space<vmem>>, vector<16xf32>,
      tpu.vector_store %arg10[%swap3A], %broadcast_in_dim3A_21 {strides = array<i32>} : memref<10112xf32, #tpu.memory_space<vmem>>, vector<16xf32>,
    }
    %scan3A_3 = arith.constant 632 : i32
    %mul3A = arith.constant 632 : i32
    %mul3A_4 = arith.muli %arg1, %mul3A : i32
    "tpu.region"() ({
      %run_scoped3A = tpu.sem_alloc : memref<!tpu.dma_semaphore, #tpu.memory_space<semaphore_mem>>
      %dma_start3A = arith.constant 0 : i32
      %dma_start3A_16 = tpu.memref_slice %arg11[%mul3A_4, %dma_start3A] : memref<10112x128xf32, #tpu.memory_space<vmem_shared>> -> memref<632x128xf32, #tpu.memory_space<vmem_shared>>
      %dma_start3A_17 = arith.constant 20000 : i32
      %dma_start3A_18 = arith.constant 0 : i32
      %dma_start3A_19 = tpu.memref_slice %arg2[%dma_start3A_17, %dma_start3A_18] : memref<20632x128xf32, #tpu.memory_space<hbm>> -> memref<632x128xf32, #tpu.memory_space<hbm>>
      tpu.enqueue_dma source(%dma_start3A_19 : memref<632x128xf32, #tpu.memory_space<hbm>>) target(%dma_start3A_16 : memref<632x128xf32, #tpu.memory_space<vmem_shared>>) target_semaphore(%run_scoped3A : memref<!tpu.dma_semaphore, #tpu.memory_space<semaphore_mem>>)
      %dma_wait3A = arith.constant 0 : i32
      %dma_wait3A_20 = tpu.memref_slice %arg11[%mul3A_4, %dma_wait3A] : memref<10112x128xf32, #tpu.memory_space<vmem_shared>> -> memref<632x128xf32, #tpu.memory_space<vmem_shared>>
      %dma_wait3A_21 = arith.constant 20000 : i32
      %dma_wait3A_22 = arith.constant 0 : i32
      %dma_wait3A_23 = tpu.memref_slice %arg2[%dma_wait3A_21, %dma_wait3A_22] : memref<20632x128xf32, #tpu.memory_space<hbm>> -> memref<632x128xf32, #tpu.memory_space<hbm>>
      tpu.wait_dma2 semaphore(%run_scoped3A : memref<!tpu.dma_semaphore, #tpu.memory_space<semaphore_mem>>) src(%dma_wait3A_23 : memref<632x128xf32, #tpu.memory_space<hbm>>) dst(%dma_wait3A_20 : memref<632x128xf32, #tpu.memory_space<vmem_shared>>)
      tpu.yield
    }) : () -> ()
    %barrier3A = arith.constant 0 : index
    tpu.barrier barrier_id(%barrier3A)
    %broadcast_in_dim3A = arith.constant 1.000000e+00 : f32
    %broadcast_in_dim3A_5 = vector.broadcast %broadcast_in_dim3A : f32 to vector<16xf32>
    %scan3A_6 = arith.constant 0 : i32
    %scan3A_7 = arith.constant 10 : i32
    %scan3A_8 = arith.addi %scan3A_6, %scan3A_7 : i32
    %scan3A_9 = arith.constant 1 : i32
    scf.for %scan3A_16 = %scan3A_6 to %scan3A_8 step %scan3A_9  : i32 {
      %mul3A_17 = arith.constant 1 : i32
      %mul3A_18 = arith.muli %scan3A_16, %mul3A_17 : i32
      %add3A = arith.constant 0 : i32
      %add3A_19 = arith.addi %add3A, %mul3A_18 : i32
      %mul3A_20 = arith.constant 16 : i32
      %mul3A_21 = arith.muli %add3A_19, %mul3A_20 : i32
      "tpu.region"() ({
        %run_scoped3A_64 = tpu.sem_alloc : memref<!tpu.dma_semaphore, #tpu.memory_space<semaphore_mem>>
        %dma_start3A_65 = arith.constant 0 : i32
        %dma_start3A_66 = arith.constant 0 : i32
        %dma_start3A_67 = arith.constant 0 : i32
        %dma_start3A_68 = arith.constant 0 : i32
        %dma_start3A_69 = tpu.memref_slice %arg3[%arg0, %dma_start3A_65, %dma_start3A_66, %dma_start3A_67, %dma_start3A_68] : memref<2x16x2x160x128xi32, #tpu.memory_space<hbm>> -> memref<1x16x2x160x128xi32, #tpu.memory_space<hbm>>
        %dma_start3A_70 = tpu.memref_squeeze %dma_start3A_69 : memref<1x16x2x160x128xi32, #tpu.memory_space<hbm>> -> memref<16x2x160x128xi32, #tpu.memory_space<hbm>>
        %dma_start3A_71 = arith.constant 0 : i32
        %dma_start3A_72 = arith.constant 0 : i32
        %dma_start3A_73 = arith.constant 0 : i32
        %dma_start3A_74 = tpu.memref_slice %dma_start3A_70[%arg1, %dma_start3A_71, %dma_start3A_72, %dma_start3A_73] : memref<16x2x160x128xi32, #tpu.memory_space<hbm>> -> memref<1x2x160x128xi32, #tpu.memory_space<hbm>>
        %dma_start3A_75 = tpu.memref_squeeze %dma_start3A_74 : memref<1x2x160x128xi32, #tpu.memory_space<hbm>> -> memref<2x160x128xi32, #tpu.memory_space<hbm>>
        %dma_start3A_76 = arith.constant 0 : i32
        %dma_start3A_77 = arith.constant 0 : i32
        %dma_start3A_78 = tpu.memref_slice %dma_start3A_75[%dma_start3A_76, %mul3A_21, %dma_start3A_77] : memref<2x160x128xi32, #tpu.memory_space<hbm>> -> memref<2x16x128xi32, #tpu.memory_space<hbm>>
        %dma_start3A_79 = arith.constant 0 : i32
        %dma_start3A_80 = arith.constant 0 : i32
        %dma_start3A_81 = arith.constant 0 : i32
        %dma_start3A_82 = arith.constant 0 : i32
        %dma_start3A_83 = tpu.memref_slice %arg3[%arg0, %dma_start3A_79, %dma_start3A_80, %dma_start3A_81, %dma_start3A_82] : memref<2x16x2x160x128xi32, #tpu.memory_space<hbm>> -> memref<1x16x2x160x128xi32, #tpu.memory_space<hbm>>
        %dma_start3A_84 = tpu.memref_squeeze %dma_start3A_83 : memref<1x16x2x160x128xi32, #tpu.memory_space<hbm>> -> memref<16x2x160x128xi32, #tpu.memory_space<hbm>>
        %dma_start3A_85 = arith.constant 0 : i32
        %dma_start3A_86 = arith.constant 0 : i32
        %dma_start3A_87 = arith.constant 0 : i32
        %dma_start3A_88 = tpu.memref_slice %dma_start3A_84[%arg1, %dma_start3A_85, %dma_start3A_86, %dma_start3A_87] : memref<16x2x160x128xi32, #tpu.memory_space<hbm>> -> memref<1x2x160x128xi32, #tpu.memory_space<hbm>>
        %dma_start3A_89 = tpu.memref_squeeze %dma_start3A_88 : memref<1x2x160x128xi32, #tpu.memory_space<hbm>> -> memref<2x160x128xi32, #tpu.memory_space<hbm>>
        %dma_start3A_90 = arith.constant 0 : i32
        %dma_start3A_91 = arith.constant 0 : i32
        %dma_start3A_92 = tpu.memref_slice %dma_start3A_89[%dma_start3A_90, %mul3A_21, %dma_start3A_91] : memref<2x160x128xi32, #tpu.memory_space<hbm>> -> memref<2x16x128xi32, #tpu.memory_space<hbm>>
        tpu.enqueue_dma source(%dma_start3A_92 : memref<2x16x128xi32, #tpu.memory_space<hbm>>) target(%arg7 : memref<2x16x128xi32, #tpu.memory_space<vmem>>) target_semaphore(%run_scoped3A_64 : memref<!tpu.dma_semaphore, #tpu.memory_space<semaphore_mem>>)
        %dma_wait3A = arith.constant 0 : i32
        %dma_wait3A_93 = arith.constant 0 : i32
        %dma_wait3A_94 = arith.constant 0 : i32
        %dma_wait3A_95 = arith.constant 0 : i32
        %dma_wait3A_96 = tpu.memref_slice %arg3[%arg0, %dma_wait3A, %dma_wait3A_93, %dma_wait3A_94, %dma_wait3A_95] : memref<2x16x2x160x128xi32, #tpu.memory_space<hbm>> -> memref<1x16x2x160x128xi32, #tpu.memory_space<hbm>>
        %dma_wait3A_97 = tpu.memref_squeeze %dma_wait3A_96 : memref<1x16x2x160x128xi32, #tpu.memory_space<hbm>> -> memref<16x2x160x128xi32, #tpu.memory_space<hbm>>
        %dma_wait3A_98 = arith.constant 0 : i32
        %dma_wait3A_99 = arith.constant 0 : i32
        %dma_wait3A_100 = arith.constant 0 : i32
        %dma_wait3A_101 = tpu.memref_slice %dma_wait3A_97[%arg1, %dma_wait3A_98, %dma_wait3A_99, %dma_wait3A_100] : memref<16x2x160x128xi32, #tpu.memory_space<hbm>> -> memref<1x2x160x128xi32, #tpu.memory_space<hbm>>
        %dma_wait3A_102 = tpu.memref_squeeze %dma_wait3A_101 : memref<1x2x160x128xi32, #tpu.memory_space<hbm>> -> memref<2x160x128xi32, #tpu.memory_space<hbm>>
        %dma_wait3A_103 = arith.constant 0 : i32
        %dma_wait3A_104 = arith.constant 0 : i32
        %dma_wait3A_105 = tpu.memref_slice %dma_wait3A_102[%dma_wait3A_103, %mul3A_21, %dma_wait3A_104] : memref<2x160x128xi32, #tpu.memory_space<hbm>> -> memref<2x16x128xi32, #tpu.memory_space<hbm>>
        %dma_wait3A_106 = arith.constant 0 : i32
        %dma_wait3A_107 = arith.constant 0 : i32
        %dma_wait3A_108 = arith.constant 0 : i32
        %dma_wait3A_109 = arith.constant 0 : i32
        %dma_wait3A_110 = tpu.memref_slice %arg3[%arg0, %dma_wait3A_106, %dma_wait3A_107, %dma_wait3A_108, %dma_wait3A_109] : memref<2x16x2x160x128xi32, #tpu.memory_space<hbm>> -> memref<1x16x2x160x128xi32, #tpu.memory_space<hbm>>
        %dma_wait3A_111 = tpu.memref_squeeze %dma_wait3A_110 : memref<1x16x2x160x128xi32, #tpu.memory_space<hbm>> -> memref<16x2x160x128xi32, #tpu.memory_space<hbm>>
        %dma_wait3A_112 = arith.constant 0 : i32
        %dma_wait3A_113 = arith.constant 0 : i32
        %dma_wait3A_114 = arith.constant 0 : i32
        %dma_wait3A_115 = tpu.memref_slice %dma_wait3A_111[%arg1, %dma_wait3A_112, %dma_wait3A_113, %dma_wait3A_114] : memref<16x2x160x128xi32, #tpu.memory_space<hbm>> -> memref<1x2x160x128xi32, #tpu.memory_space<hbm>>
        %dma_wait3A_116 = tpu.memref_squeeze %dma_wait3A_115 : memref<1x2x160x128xi32, #tpu.memory_space<hbm>> -> memref<2x160x128xi32, #tpu.memory_space<hbm>>
        %dma_wait3A_117 = arith.constant 0 : i32
        %dma_wait3A_118 = arith.constant 0 : i32
        %dma_wait3A_119 = tpu.memref_slice %dma_wait3A_116[%dma_wait3A_117, %mul3A_21, %dma_wait3A_118] : memref<2x160x128xi32, #tpu.memory_space<hbm>> -> memref<2x16x128xi32, #tpu.memory_space<hbm>>
        tpu.wait_dma2 semaphore(%run_scoped3A_64 : memref<!tpu.dma_semaphore, #tpu.memory_space<semaphore_mem>>) src(%dma_wait3A_119 : memref<2x16x128xi32, #tpu.memory_space<hbm>>) dst(%arg7 : memref<2x16x128xi32, #tpu.memory_space<vmem>>)
        tpu.yield
      }) : () -> ()
      %mul3A_22 = arith.constant 16 : i32
      %mul3A_23 = arith.muli %add3A_19, %mul3A_22 : i32
      %mul3A_24 = arith.constant 128 : i32
      %mul3A_25 = arith.muli %mul3A_23, %mul3A_24 : i32
      %run_scoped3A = arith.constant 1 : i32
      "tpu.region"() ({
        %run_scoped3A_64 = tpu.sem_alloc : memref<!tpu.dma_semaphore, #tpu.memory_space<semaphore_mem>>
        %dma_start3A_65 = arith.constant 0 : i32
        %dma_start3A_66 = arith.constant 0 : i32
        %dma_start3A_67 = arith.constant 0 : i32
        %dma_start3A_68 = tpu.memref_slice %arg4[%arg0, %dma_start3A_65, %dma_start3A_66, %dma_start3A_67] : memref<2x16x2x20480xi32, #tpu.memory_space<hbm>> -> memref<1x16x2x20480xi32, #tpu.memory_space<hbm>>
        %dma_start3A_69 = tpu.memref_squeeze %dma_start3A_68 : memref<1x16x2x20480xi32, #tpu.memory_space<hbm>> -> memref<16x2x20480xi32, #tpu.memory_space<hbm>>
        %dma_start3A_70 = arith.constant 0 : i32
        %dma_start3A_71 = arith.constant 0 : i32
        %dma_start3A_72 = tpu.memref_slice %dma_start3A_69[%arg1, %dma_start3A_70, %dma_start3A_71] : memref<16x2x20480xi32, #tpu.memory_space<hbm>> -> memref<1x2x20480xi32, #tpu.memory_space<hbm>>
        %dma_start3A_73 = tpu.memref_squeeze %dma_start3A_72 : memref<1x2x20480xi32, #tpu.memory_space<hbm>> -> memref<2x20480xi32, #tpu.memory_space<hbm>>
        %dma_start3A_74 = arith.constant 0 : i32
        %dma_start3A_75 = tpu.memref_slice %dma_start3A_73[%run_scoped3A, %dma_start3A_74] : memref<2x20480xi32, #tpu.memory_space<hbm>> -> memref<1x20480xi32, #tpu.memory_space<hbm>>
        %dma_start3A_76 = tpu.memref_squeeze %dma_start3A_75 : memref<1x20480xi32, #tpu.memory_space<hbm>> -> memref<20480xi32, #tpu.memory_space<hbm>>
        %dma_start3A_77 = tpu.memref_slice %dma_start3A_76[%mul3A_25] : memref<20480xi32, #tpu.memory_space<hbm>> -> memref<2048xi32, #tpu.memory_space<hbm>>
        %dma_start3A_78 = arith.constant 0 : i32
        %dma_start3A_79 = arith.constant 0 : i32
        %dma_start3A_80 = arith.constant 0 : i32
        %dma_start3A_81 = tpu.memref_slice %arg4[%arg0, %dma_start3A_78, %dma_start3A_79, %dma_start3A_80] : memref<2x16x2x20480xi32, #tpu.memory_space<hbm>> -> memref<1x16x2x20480xi32, #tpu.memory_space<hbm>>
        %dma_start3A_82 = tpu.memref_squeeze %dma_start3A_81 : memref<1x16x2x20480xi32, #tpu.memory_space<hbm>> -> memref<16x2x20480xi32, #tpu.memory_space<hbm>>
        %dma_start3A_83 = arith.constant 0 : i32
        %dma_start3A_84 = arith.constant 0 : i32
        %dma_start3A_85 = tpu.memref_slice %dma_start3A_82[%arg1, %dma_start3A_83, %dma_start3A_84] : memref<16x2x20480xi32, #tpu.memory_space<hbm>> -> memref<1x2x20480xi32, #tpu.memory_space<hbm>>
        %dma_start3A_86 = tpu.memref_squeeze %dma_start3A_85 : memref<1x2x20480xi32, #tpu.memory_space<hbm>> -> memref<2x20480xi32, #tpu.memory_space<hbm>>
        %dma_start3A_87 = arith.constant 0 : i32
        %dma_start3A_88 = tpu.memref_slice %dma_start3A_86[%run_scoped3A, %dma_start3A_87] : memref<2x20480xi32, #tpu.memory_space<hbm>> -> memref<1x20480xi32, #tpu.memory_space<hbm>>
        %dma_start3A_89 = tpu.memref_squeeze %dma_start3A_88 : memref<1x20480xi32, #tpu.memory_space<hbm>> -> memref<20480xi32, #tpu.memory_space<hbm>>
        %dma_start3A_90 = tpu.memref_slice %dma_start3A_89[%mul3A_25] : memref<20480xi32, #tpu.memory_space<hbm>> -> memref<2048xi32, #tpu.memory_space<hbm>>
        tpu.enqueue_dma source(%dma_start3A_90 : memref<2048xi32, #tpu.memory_space<hbm>>) target(%arg8 : memref<2048xi32, #tpu.memory_space<vmem>>) target_semaphore(%run_scoped3A_64 : memref<!tpu.dma_semaphore, #tpu.memory_space<semaphore_mem>>)
        %dma_wait3A = arith.constant 0 : i32
        %dma_wait3A_91 = arith.constant 0 : i32
        %dma_wait3A_92 = arith.constant 0 : i32
        %dma_wait3A_93 = tpu.memref_slice %arg4[%arg0, %dma_wait3A, %dma_wait3A_91, %dma_wait3A_92] : memref<2x16x2x20480xi32, #tpu.memory_space<hbm>> -> memref<1x16x2x20480xi32, #tpu.memory_space<hbm>>
        %dma_wait3A_94 = tpu.memref_squeeze %dma_wait3A_93 : memref<1x16x2x20480xi32, #tpu.memory_space<hbm>> -> memref<16x2x20480xi32, #tpu.memory_space<hbm>>
        %dma_wait3A_95 = arith.constant 0 : i32
        %dma_wait3A_96 = arith.constant 0 : i32
        %dma_wait3A_97 = tpu.memref_slice %dma_wait3A_94[%arg1, %dma_wait3A_95, %dma_wait3A_96] : memref<16x2x20480xi32, #tpu.memory_space<hbm>> -> memref<1x2x20480xi32, #tpu.memory_space<hbm>>
        %dma_wait3A_98 = tpu.memref_squeeze %dma_wait3A_97 : memref<1x2x20480xi32, #tpu.memory_space<hbm>> -> memref<2x20480xi32, #tpu.memory_space<hbm>>
        %dma_wait3A_99 = arith.constant 0 : i32
        %dma_wait3A_100 = tpu.memref_slice %dma_wait3A_98[%run_scoped3A, %dma_wait3A_99] : memref<2x20480xi32, #tpu.memory_space<hbm>> -> memref<1x20480xi32, #tpu.memory_space<hbm>>
        %dma_wait3A_101 = tpu.memref_squeeze %dma_wait3A_100 : memref<1x20480xi32, #tpu.memory_space<hbm>> -> memref<20480xi32, #tpu.memory_space<hbm>>
        %dma_wait3A_102 = tpu.memref_slice %dma_wait3A_101[%mul3A_25] : memref<20480xi32, #tpu.memory_space<hbm>> -> memref<2048xi32, #tpu.memory_space<hbm>>
        %dma_wait3A_103 = arith.constant 0 : i32
        %dma_wait3A_104 = arith.constant 0 : i32
        %dma_wait3A_105 = arith.constant 0 : i32
        %dma_wait3A_106 = tpu.memref_slice %arg4[%arg0, %dma_wait3A_103, %dma_wait3A_104, %dma_wait3A_105] : memref<2x16x2x20480xi32, #tpu.memory_space<hbm>> -> memref<1x16x2x20480xi32, #tpu.memory_space<hbm>>
        %dma_wait3A_107 = tpu.memref_squeeze %dma_wait3A_106 : memref<1x16x2x20480xi32, #tpu.memory_space<hbm>> -> memref<16x2x20480xi32, #tpu.memory_space<hbm>>
        %dma_wait3A_108 = arith.constant 0 : i32
        %dma_wait3A_109 = arith.constant 0 : i32
        %dma_wait3A_110 = tpu.memref_slice %dma_wait3A_107[%arg1, %dma_wait3A_108, %dma_wait3A_109] : memref<16x2x20480xi32, #tpu.memory_space<hbm>> -> memref<1x2x20480xi32, #tpu.memory_space<hbm>>
        %dma_wait3A_111 = tpu.memref_squeeze %dma_wait3A_110 : memref<1x2x20480xi32, #tpu.memory_space<hbm>> -> memref<2x20480xi32, #tpu.memory_space<hbm>>
        %dma_wait3A_112 = arith.constant 0 : i32
        %dma_wait3A_113 = tpu.memref_slice %dma_wait3A_111[%run_scoped3A, %dma_wait3A_112] : memref<2x20480xi32, #tpu.memory_space<hbm>> -> memref<1x20480xi32, #tpu.memory_space<hbm>>
        %dma_wait3A_114 = tpu.memref_squeeze %dma_wait3A_113 : memref<1x20480xi32, #tpu.memory_space<hbm>> -> memref<20480xi32, #tpu.memory_space<hbm>>
        %dma_wait3A_115 = tpu.memref_slice %dma_wait3A_114[%mul3A_25] : memref<20480xi32, #tpu.memory_space<hbm>> -> memref<2048xi32, #tpu.memory_space<hbm>>
        tpu.wait_dma2 semaphore(%run_scoped3A_64 : memref<!tpu.dma_semaphore, #tpu.memory_space<semaphore_mem>>) src(%dma_wait3A_115 : memref<2048xi32, #tpu.memory_space<hbm>>) dst(%arg8 : memref<2048xi32, #tpu.memory_space<vmem>>)
        tpu.yield
      }) : () -> ()
      %dma_start3A = arith.constant 0 : i32
      %dma_start3A_26 = arith.constant 0 : i32
      %dma_start3A_27 = arith.constant 0 : i32
      %dma_start3A_28 = arith.constant 0 : i32
      %dma_start3A_29 = arith.constant 0 : i32
      %dma_start3A_30 = tpu.memref_slice %arg9[%dma_start3A_27, %dma_start3A_28, %dma_start3A_29] : memref<2x128x128xf32, #tpu.memory_space<vmem>> -> memref<1x128x128xf32, #tpu.memory_space<vmem>>
      %dma_start3A_31 = tpu.memref_squeeze %dma_start3A_30 : memref<1x128x128xf32, #tpu.memory_space<vmem>> -> memref<128x128xf32, #tpu.memory_space<vmem>>
      %dma_start3A_32 = arith.constant 0 : i32
      %dma_start3A_33 = arith.constant 0 : i32
      %dma_start3A_34 = tpu.memref_slice %arg7[%dma_start3A, %dma_start3A_32, %dma_start3A_33] : memref<2x16x128xi32, #tpu.memory_space<vmem>> -> memref<1x16x128xi32, #tpu.memory_space<vmem>>
      %dma_start3A_35 = tpu.memref_squeeze %dma_start3A_34 : memref<1x16x128xi32, #tpu.memory_space<vmem>> -> memref<16x128xi32, #tpu.memory_space<vmem>>
      %dma_start3A_36 = arith.constant 0 : i32
      %dma_start3A_37 = tpu.memref_slice %dma_start3A_35[%dma_start3A_26, %dma_start3A_36] : memref<16x128xi32, #tpu.memory_space<vmem>> -> memref<1x128xi32, #tpu.memory_space<vmem>>
      %dma_start3A_38 = tpu.memref_squeeze %dma_start3A_37 : memref<1x128xi32, #tpu.memory_space<vmem>> -> memref<128xi32, #tpu.memory_space<vmem>>
      %dma_start3A_39 = arith.constant 0 : i32
      %dma_start3A_40 = arith.constant 0 : i32
      %dma_start3A_41 = tpu.memref_slice %arg2[%dma_start3A_39, %dma_start3A_40] : memref<20632x128xf32, #tpu.memory_space<hbm>> -> memref<20632x128xf32, #tpu.memory_space<hbm>>
      tpu.enqueue_indirect_dma source(%dma_start3A_41 : memref<20632x128xf32, #tpu.memory_space<hbm>>) target(%dma_start3A_31 : memref<128x128xf32, #tpu.memory_space<vmem>>) offsets(%dma_start3A_38 : memref<128xi32, #tpu.memory_space<vmem>>) semaphore(%arg12 : memref<!tpu.dma_semaphore, #tpu.memory_space<semaphore_mem>>)
      %dma_start3A_42 = arith.constant 0 : i32
      %dma_start3A_43 = arith.constant 1 : i32
      %dma_start3A_44 = arith.constant 1 : i32
      %dma_start3A_45 = arith.constant 0 : i32
      %dma_start3A_46 = arith.constant 0 : i32
      %dma_start3A_47 = tpu.memref_slice %arg9[%dma_start3A_44, %dma_start3A_45, %dma_start3A_46] : memref<2x128x128xf32, #tpu.memory_space<vmem>> -> memref<1x128x128xf32, #tpu.memory_space<vmem>>
      %dma_start3A_48 = tpu.memref_squeeze %dma_start3A_47 : memref<1x128x128xf32, #tpu.memory_space<vmem>> -> memref<128x128xf32, #tpu.memory_space<vmem>>
      %dma_start3A_49 = arith.constant 0 : i32
      %dma_start3A_50 = arith.constant 0 : i32
      %dma_start3A_51 = tpu.memref_slice %arg7[%dma_start3A_42, %dma_start3A_49, %dma_start3A_50] : memref<2x16x128xi32, #tpu.memory_space<vmem>> -> memref<1x16x128xi32, #tpu.memory_space<vmem>>
      %dma_start3A_52 = tpu.memref_squeeze %dma_start3A_51 : memref<1x16x128xi32, #tpu.memory_space<vmem>> -> memref<16x128xi32, #tpu.memory_space<vmem>>
      %dma_start3A_53 = arith.constant 0 : i32
      %dma_start3A_54 = tpu.memref_slice %dma_start3A_52[%dma_start3A_43, %dma_start3A_53] : memref<16x128xi32, #tpu.memory_space<vmem>> -> memref<1x128xi32, #tpu.memory_space<vmem>>
      %dma_start3A_55 = tpu.memref_squeeze %dma_start3A_54 : memref<1x128xi32, #tpu.memory_space<vmem>> -> memref<128xi32, #tpu.memory_space<vmem>>
      %dma_start3A_56 = arith.constant 0 : i32
      %dma_start3A_57 = arith.constant 0 : i32
      %dma_start3A_58 = tpu.memref_slice %arg2[%dma_start3A_56, %dma_start3A_57] : memref<20632x128xf32, #tpu.memory_space<hbm>> -> memref<20632x128xf32, #tpu.memory_space<hbm>>
      tpu.enqueue_indirect_dma source(%dma_start3A_58 : memref<20632x128xf32, #tpu.memory_space<hbm>>) target(%dma_start3A_48 : memref<128x128xf32, #tpu.memory_space<vmem>>) offsets(%dma_start3A_55 : memref<128xi32, #tpu.memory_space<vmem>>) semaphore(%arg13 : memref<!tpu.dma_semaphore, #tpu.memory_space<semaphore_mem>>)
      %scan3A_59 = arith.constant 0 : i32
      %scan3A_60 = arith.constant 8 : i32
      %scan3A_61 = arith.addi %scan3A_59, %scan3A_60 : i32
      %scan3A_62 = arith.constant 1 : i32
      scf.for %scan3A_64 = %scan3A_59 to %scan3A_61 step %scan3A_62  : i32 {
        %mul3A_65 = arith.constant 1 : i32
        %mul3A_66 = arith.muli %scan3A_64, %mul3A_65 : i32
        %add3A_67 = arith.constant 0 : i32
        %add3A_68 = arith.addi %add3A_67, %mul3A_66 : i32
        %mul3A_69 = arith.constant 2 : i32
        %mul3A_70 = arith.muli %add3A_68, %mul3A_69 : i32
        %add3A_71 = arith.constant 0 : i32
        %add3A_72 = arith.addi %mul3A_70, %add3A_71 : i32
        %dma_wait3A = arith.constant 0 : i32
        %dma_wait3A_73 = arith.constant 0 : i32
        %dma_wait3A_74 = arith.constant 0 : i32
        %dma_wait3A_75 = arith.constant 0 : i32
        %dma_wait3A_76 = tpu.memref_slice %arg9[%dma_wait3A_73, %dma_wait3A_74, %dma_wait3A_75] : memref<2x128x128xf32, #tpu.memory_space<vmem>> -> memref<1x128x128xf32, #tpu.memory_space<vmem>>
        %dma_wait3A_77 = tpu.memref_squeeze %dma_wait3A_76 : memref<1x128x128xf32, #tpu.memory_space<vmem>> -> memref<128x128xf32, #tpu.memory_space<vmem>>
        %dma_wait3A_78 = arith.constant 0 : i32
        %dma_wait3A_79 = arith.constant 0 : i32
        %dma_wait3A_80 = tpu.memref_slice %arg7[%dma_wait3A, %dma_wait3A_78, %dma_wait3A_79] : memref<2x16x128xi32, #tpu.memory_space<vmem>> -> memref<1x16x128xi32, #tpu.memory_space<vmem>>
        %dma_wait3A_81 = tpu.memref_squeeze %dma_wait3A_80 : memref<1x16x128xi32, #tpu.memory_space<vmem>> -> memref<16x128xi32, #tpu.memory_space<vmem>>
        %dma_wait3A_82 = arith.constant 0 : i32
        %dma_wait3A_83 = tpu.memref_slice %dma_wait3A_81[%add3A_72, %dma_wait3A_82] : memref<16x128xi32, #tpu.memory_space<vmem>> -> memref<1x128xi32, #tpu.memory_space<vmem>>
        %dma_wait3A_84 = tpu.memref_squeeze %dma_wait3A_83 : memref<1x128xi32, #tpu.memory_space<vmem>> -> memref<128xi32, #tpu.memory_space<vmem>>
        %dma_wait3A_85 = arith.constant 0 : i32
        %dma_wait3A_86 = arith.constant 0 : i32
        %dma_wait3A_87 = tpu.memref_slice %arg2[%dma_wait3A_85, %dma_wait3A_86] : memref<20632x128xf32, #tpu.memory_space<hbm>> -> memref<20632x128xf32, #tpu.memory_space<hbm>>
        tpu.wait_indirect_dma semaphore(%arg12 : memref<!tpu.dma_semaphore, #tpu.memory_space<semaphore_mem>>) src(%dma_wait3A_87 : memref<20632x128xf32, #tpu.memory_space<hbm>>) dst(%dma_wait3A_77 : memref<128x128xf32, #tpu.memory_space<vmem>>)
        %run_scoped3A_88 = arith.constant 0 : i32
        %run_scoped3A_89 = arith.constant 1 : i32
        "tpu.region"() ({
          %run_scoped3A_214 = tpu.sem_alloc : memref<!tpu.dma_semaphore, #tpu.memory_space<semaphore_mem>>
          %dma_start3A_215 = arith.constant 0 : i32
          %dma_start3A_216 = arith.constant 0 : i32
          %dma_start3A_217 = tpu.memref_slice %arg9[%run_scoped3A_88, %dma_start3A_215, %dma_start3A_216] : memref<2x128x128xf32, #tpu.memory_space<vmem>> -> memref<1x128x128xf32, #tpu.memory_space<vmem>>
          %dma_start3A_218 = tpu.memref_squeeze %dma_start3A_217 : memref<1x128x128xf32, #tpu.memory_space<vmem>> -> memref<128x128xf32, #tpu.memory_space<vmem>>
          %dma_start3A_219 = arith.constant 0 : i32
          %dma_start3A_220 = arith.constant 0 : i32
          %dma_start3A_221 = tpu.memref_slice %arg7[%run_scoped3A_89, %dma_start3A_219, %dma_start3A_220] : memref<2x16x128xi32, #tpu.memory_space<vmem>> -> memref<1x16x128xi32, #tpu.memory_space<vmem>>
          %dma_start3A_222 = tpu.memref_squeeze %dma_start3A_221 : memref<1x16x128xi32, #tpu.memory_space<vmem>> -> memref<16x128xi32, #tpu.memory_space<vmem>>
          %dma_start3A_223 = arith.constant 0 : i32
          %dma_start3A_224 = tpu.memref_slice %dma_start3A_222[%add3A_72, %dma_start3A_223] : memref<16x128xi32, #tpu.memory_space<vmem>> -> memref<1x128xi32, #tpu.memory_space<vmem>>
          %dma_start3A_225 = tpu.memref_squeeze %dma_start3A_224 : memref<1x128xi32, #tpu.memory_space<vmem>> -> memref<128xi32, #tpu.memory_space<vmem>>
          %dma_start3A_226 = arith.constant 0 : i32
          %dma_start3A_227 = arith.constant 0 : i32
          %dma_start3A_228 = tpu.memref_slice %arg11[%dma_start3A_226, %dma_start3A_227] : memref<10112x128xf32, #tpu.memory_space<vmem_shared>> -> memref<10112x128xf32, #tpu.memory_space<vmem_shared>>
          tpu.enqueue_indirect_dma source(%dma_start3A_218 : memref<128x128xf32, #tpu.memory_space<vmem>>) target(%dma_start3A_228 : memref<10112x128xf32, #tpu.memory_space<vmem_shared>>) offsets(%dma_start3A_225 : memref<128xi32, #tpu.memory_space<vmem>>) semaphore(%run_scoped3A_214 : memref<!tpu.dma_semaphore, #tpu.memory_space<semaphore_mem>>) {add = true}
          %dma_wait3A_229 = arith.constant 0 : i32
          %dma_wait3A_230 = arith.constant 0 : i32
          %dma_wait3A_231 = tpu.memref_slice %arg9[%run_scoped3A_88, %dma_wait3A_229, %dma_wait3A_230] : memref<2x128x128xf32, #tpu.memory_space<vmem>> -> memref<1x128x128xf32, #tpu.memory_space<vmem>>
          %dma_wait3A_232 = tpu.memref_squeeze %dma_wait3A_231 : memref<1x128x128xf32, #tpu.memory_space<vmem>> -> memref<128x128xf32, #tpu.memory_space<vmem>>
          %dma_wait3A_233 = arith.constant 0 : i32
          %dma_wait3A_234 = arith.constant 0 : i32
          %dma_wait3A_235 = tpu.memref_slice %arg7[%run_scoped3A_89, %dma_wait3A_233, %dma_wait3A_234] : memref<2x16x128xi32, #tpu.memory_space<vmem>> -> memref<1x16x128xi32, #tpu.memory_space<vmem>>
          %dma_wait3A_236 = tpu.memref_squeeze %dma_wait3A_235 : memref<1x16x128xi32, #tpu.memory_space<vmem>> -> memref<16x128xi32, #tpu.memory_space<vmem>>
          %dma_wait3A_237 = arith.constant 0 : i32
          %dma_wait3A_238 = tpu.memref_slice %dma_wait3A_236[%add3A_72, %dma_wait3A_237] : memref<16x128xi32, #tpu.memory_space<vmem>> -> memref<1x128xi32, #tpu.memory_space<vmem>>
          %dma_wait3A_239 = tpu.memref_squeeze %dma_wait3A_238 : memref<1x128xi32, #tpu.memory_space<vmem>> -> memref<128xi32, #tpu.memory_space<vmem>>
          %dma_wait3A_240 = arith.constant 0 : i32
          %dma_wait3A_241 = arith.constant 0 : i32
          %dma_wait3A_242 = tpu.memref_slice %arg11[%dma_wait3A_240, %dma_wait3A_241] : memref<10112x128xf32, #tpu.memory_space<vmem_shared>> -> memref<10112x128xf32, #tpu.memory_space<vmem_shared>>
          tpu.wait_indirect_dma semaphore(%run_scoped3A_214 : memref<!tpu.dma_semaphore, #tpu.memory_space<semaphore_mem>>) src(%dma_wait3A_232 : memref<128x128xf32, #tpu.memory_space<vmem>>) dst(%dma_wait3A_242 : memref<10112x128xf32, #tpu.memory_space<vmem_shared>>)
          tpu.yield
        }) : () -> ()
        %lt3A = arith.constant 7 : i32
        %lt3A_90 = arith.cmpi slt, %add3A_68, %lt3A : i32
        %convert_element_type3A = arith.extui %lt3A_90 : i1 to i32
        %cond3A = arith.constant 0 : i32
        %cond3A_91 = arith.cmpi ne, %convert_element_type3A, %cond3A : i32
        scf.if %cond3A_91 {
          %add3A_214 = arith.constant 2 : i32
          %add3A_215 = arith.addi %add3A_72, %add3A_214 : i32
          %dma_start3A_216 = arith.constant 0 : i32
          %dma_start3A_217 = arith.constant 0 : i32
          %dma_start3A_218 = arith.constant 0 : i32
          %dma_start3A_219 = arith.constant 0 : i32
          %dma_start3A_220 = tpu.memref_slice %arg9[%dma_start3A_217, %dma_start3A_218, %dma_start3A_219] : memref<2x128x128xf32, #tpu.memory_space<vmem>> -> memref<1x128x128xf32, #tpu.memory_space<vmem>>
          %dma_start3A_221 = tpu.memref_squeeze %dma_start3A_220 : memref<1x128x128xf32, #tpu.memory_space<vmem>> -> memref<128x128xf32, #tpu.memory_space<vmem>>
          %dma_start3A_222 = arith.constant 0 : i32
          %dma_start3A_223 = arith.constant 0 : i32
          %dma_start3A_224 = tpu.memref_slice %arg7[%dma_start3A_216, %dma_start3A_222, %dma_start3A_223] : memref<2x16x128xi32, #tpu.memory_space<vmem>> -> memref<1x16x128xi32, #tpu.memory_space<vmem>>
          %dma_start3A_225 = tpu.memref_squeeze %dma_start3A_224 : memref<1x16x128xi32, #tpu.memory_space<vmem>> -> memref<16x128xi32, #tpu.memory_space<vmem>>
          %dma_start3A_226 = arith.constant 0 : i32
          %dma_start3A_227 = tpu.memref_slice %dma_start3A_225[%add3A_215, %dma_start3A_226] : memref<16x128xi32, #tpu.memory_space<vmem>> -> memref<1x128xi32, #tpu.memory_space<vmem>>
          %dma_start3A_228 = tpu.memref_squeeze %dma_start3A_227 : memref<1x128xi32, #tpu.memory_space<vmem>> -> memref<128xi32, #tpu.memory_space<vmem>>
          %dma_start3A_229 = arith.constant 0 : i32
          %dma_start3A_230 = arith.constant 0 : i32
          %dma_start3A_231 = tpu.memref_slice %arg2[%dma_start3A_229, %dma_start3A_230] : memref<20632x128xf32, #tpu.memory_space<hbm>> -> memref<20632x128xf32, #tpu.memory_space<hbm>>
          tpu.enqueue_indirect_dma source(%dma_start3A_231 : memref<20632x128xf32, #tpu.memory_space<hbm>>) target(%dma_start3A_221 : memref<128x128xf32, #tpu.memory_space<vmem>>) offsets(%dma_start3A_228 : memref<128xi32, #tpu.memory_space<vmem>>) semaphore(%arg12 : memref<!tpu.dma_semaphore, #tpu.memory_space<semaphore_mem>>)
        } else {
        }
        %mul3A_92 = arith.constant 128 : i32
        %mul3A_93 = arith.muli %add3A_72, %mul3A_92 : i32
        %add3A_94 = arith.constant 0 : i32
        %add3A_95 = arith.addi %mul3A_93, %add3A_94 : i32
        %get3A = arith.index_cast %add3A_95 : i32 to index
        %get3A_96 = tpu.vector_load %arg8[%get3A] {strides = array<i32>} : memref<2048xi32, #tpu.memory_space<vmem>>, vector<16xi32>,
        tpu.vector_store_idx %arg10[%get3A_96], %broadcast_in_dim3A_5 {add = true} : memref<10112xf32, #tpu.memory_space<vmem>>[vector<16xi32>], vector<16xf32>,
        %mul3A_97 = arith.constant 128 : i32
        %mul3A_98 = arith.muli %add3A_72, %mul3A_97 : i32
        %add3A_99 = arith.constant 16 : i32
        %add3A_100 = arith.addi %mul3A_98, %add3A_99 : i32
        %get3A_101 = arith.index_cast %add3A_100 : i32 to index
        %get3A_102 = tpu.vector_load %arg8[%get3A_101] {strides = array<i32>} : memref<2048xi32, #tpu.memory_space<vmem>>, vector<16xi32>,
        tpu.vector_store_idx %arg10[%get3A_102], %broadcast_in_dim3A_5 {add = true} : memref<10112xf32, #tpu.memory_space<vmem>>[vector<16xi32>], vector<16xf32>,
        %mul3A_103 = arith.constant 128 : i32
        %mul3A_104 = arith.muli %add3A_72, %mul3A_103 : i32
        %add3A_105 = arith.constant 32 : i32
        %add3A_106 = arith.addi %mul3A_104, %add3A_105 : i32
        %get3A_107 = arith.index_cast %add3A_106 : i32 to index
        %get3A_108 = tpu.vector_load %arg8[%get3A_107] {strides = array<i32>} : memref<2048xi32, #tpu.memory_space<vmem>>, vector<16xi32>,
        tpu.vector_store_idx %arg10[%get3A_108], %broadcast_in_dim3A_5 {add = true} : memref<10112xf32, #tpu.memory_space<vmem>>[vector<16xi32>], vector<16xf32>,
        %mul3A_109 = arith.constant 128 : i32
        %mul3A_110 = arith.muli %add3A_72, %mul3A_109 : i32
        %add3A_111 = arith.constant 48 : i32
        %add3A_112 = arith.addi %mul3A_110, %add3A_111 : i32
        %get3A_113 = arith.index_cast %add3A_112 : i32 to index
        %get3A_114 = tpu.vector_load %arg8[%get3A_113] {strides = array<i32>} : memref<2048xi32, #tpu.memory_space<vmem>>, vector<16xi32>,
        tpu.vector_store_idx %arg10[%get3A_114], %broadcast_in_dim3A_5 {add = true} : memref<10112xf32, #tpu.memory_space<vmem>>[vector<16xi32>], vector<16xf32>,
        %mul3A_115 = arith.constant 128 : i32
        %mul3A_116 = arith.muli %add3A_72, %mul3A_115 : i32
        %add3A_117 = arith.constant 64 : i32
        %add3A_118 = arith.addi %mul3A_116, %add3A_117 : i32
        %get3A_119 = arith.index_cast %add3A_118 : i32 to index
        %get3A_120 = tpu.vector_load %arg8[%get3A_119] {strides = array<i32>} : memref<2048xi32, #tpu.memory_space<vmem>>, vector<16xi32>,
        tpu.vector_store_idx %arg10[%get3A_120], %broadcast_in_dim3A_5 {add = true} : memref<10112xf32, #tpu.memory_space<vmem>>[vector<16xi32>], vector<16xf32>,
        %mul3A_121 = arith.constant 128 : i32
        %mul3A_122 = arith.muli %add3A_72, %mul3A_121 : i32
        %add3A_123 = arith.constant 80 : i32
        %add3A_124 = arith.addi %mul3A_122, %add3A_123 : i32
        %get3A_125 = arith.index_cast %add3A_124 : i32 to index
        %get3A_126 = tpu.vector_load %arg8[%get3A_125] {strides = array<i32>} : memref<2048xi32, #tpu.memory_space<vmem>>, vector<16xi32>,
        tpu.vector_store_idx %arg10[%get3A_126], %broadcast_in_dim3A_5 {add = true} : memref<10112xf32, #tpu.memory_space<vmem>>[vector<16xi32>], vector<16xf32>,
        %mul3A_127 = arith.constant 128 : i32
        %mul3A_128 = arith.muli %add3A_72, %mul3A_127 : i32
        %add3A_129 = arith.constant 96 : i32
        %add3A_130 = arith.addi %mul3A_128, %add3A_129 : i32
        %get3A_131 = arith.index_cast %add3A_130 : i32 to index
        %get3A_132 = tpu.vector_load %arg8[%get3A_131] {strides = array<i32>} : memref<2048xi32, #tpu.memory_space<vmem>>, vector<16xi32>,
        tpu.vector_store_idx %arg10[%get3A_132], %broadcast_in_dim3A_5 {add = true} : memref<10112xf32, #tpu.memory_space<vmem>>[vector<16xi32>], vector<16xf32>,
        %mul3A_133 = arith.constant 128 : i32
        %mul3A_134 = arith.muli %add3A_72, %mul3A_133 : i32
        %add3A_135 = arith.constant 112 : i32
        %add3A_136 = arith.addi %mul3A_134, %add3A_135 : i32
        %get3A_137 = arith.index_cast %add3A_136 : i32 to index
        %get3A_138 = tpu.vector_load %arg8[%get3A_137] {strides = array<i32>} : memref<2048xi32, #tpu.memory_space<vmem>>, vector<16xi32>,
        tpu.vector_store_idx %arg10[%get3A_138], %broadcast_in_dim3A_5 {add = true} : memref<10112xf32, #tpu.memory_space<vmem>>[vector<16xi32>], vector<16xf32>,
        %mul3A_139 = arith.constant 2 : i32
        %mul3A_140 = arith.muli %add3A_68, %mul3A_139 : i32
        %add3A_141 = arith.constant 1 : i32
        %add3A_142 = arith.addi %mul3A_140, %add3A_141 : i32
        %dma_wait3A_143 = arith.constant 0 : i32
        %dma_wait3A_144 = arith.constant 1 : i32
        %dma_wait3A_145 = arith.constant 0 : i32
        %dma_wait3A_146 = arith.constant 0 : i32
        %dma_wait3A_147 = tpu.memref_slice %arg9[%dma_wait3A_144, %dma_wait3A_145, %dma_wait3A_146] : memref<2x128x128xf32, #tpu.memory_space<vmem>> -> memref<1x128x128xf32, #tpu.memory_space<vmem>>
        %dma_wait3A_148 = tpu.memref_squeeze %dma_wait3A_147 : memref<1x128x128xf32, #tpu.memory_space<vmem>> -> memref<128x128xf32, #tpu.memory_space<vmem>>
        %dma_wait3A_149 = arith.constant 0 : i32
        %dma_wait3A_150 = arith.constant 0 : i32
        %dma_wait3A_151 = tpu.memref_slice %arg7[%dma_wait3A_143, %dma_wait3A_149, %dma_wait3A_150] : memref<2x16x128xi32, #tpu.memory_space<vmem>> -> memref<1x16x128xi32, #tpu.memory_space<vmem>>
        %dma_wait3A_152 = tpu.memref_squeeze %dma_wait3A_151 : memref<1x16x128xi32, #tpu.memory_space<vmem>> -> memref<16x128xi32, #tpu.memory_space<vmem>>
        %dma_wait3A_153 = arith.constant 0 : i32
        %dma_wait3A_154 = tpu.memref_slice %dma_wait3A_152[%add3A_142, %dma_wait3A_153] : memref<16x128xi32, #tpu.memory_space<vmem>> -> memref<1x128xi32, #tpu.memory_space<vmem>>
        %dma_wait3A_155 = tpu.memref_squeeze %dma_wait3A_154 : memref<1x128xi32, #tpu.memory_space<vmem>> -> memref<128xi32, #tpu.memory_space<vmem>>
        %dma_wait3A_156 = arith.constant 0 : i32
        %dma_wait3A_157 = arith.constant 0 : i32
        %dma_wait3A_158 = tpu.memref_slice %arg2[%dma_wait3A_156, %dma_wait3A_157] : memref<20632x128xf32, #tpu.memory_space<hbm>> -> memref<20632x128xf32, #tpu.memory_space<hbm>>
        tpu.wait_indirect_dma semaphore(%arg13 : memref<!tpu.dma_semaphore, #tpu.memory_space<semaphore_mem>>) src(%dma_wait3A_158 : memref<20632x128xf32, #tpu.memory_space<hbm>>) dst(%dma_wait3A_148 : memref<128x128xf32, #tpu.memory_space<vmem>>)
        %run_scoped3A_159 = arith.constant 1 : i32
        %run_scoped3A_160 = arith.constant 1 : i32
        "tpu.region"() ({
          %run_scoped3A_214 = tpu.sem_alloc : memref<!tpu.dma_semaphore, #tpu.memory_space<semaphore_mem>>
          %dma_start3A_215 = arith.constant 0 : i32
          %dma_start3A_216 = arith.constant 0 : i32
          %dma_start3A_217 = tpu.memref_slice %arg9[%run_scoped3A_159, %dma_start3A_215, %dma_start3A_216] : memref<2x128x128xf32, #tpu.memory_space<vmem>> -> memref<1x128x128xf32, #tpu.memory_space<vmem>>
          %dma_start3A_218 = tpu.memref_squeeze %dma_start3A_217 : memref<1x128x128xf32, #tpu.memory_space<vmem>> -> memref<128x128xf32, #tpu.memory_space<vmem>>
          %dma_start3A_219 = arith.constant 0 : i32
          %dma_start3A_220 = arith.constant 0 : i32
          %dma_start3A_221 = tpu.memref_slice %arg7[%run_scoped3A_160, %dma_start3A_219, %dma_start3A_220] : memref<2x16x128xi32, #tpu.memory_space<vmem>> -> memref<1x16x128xi32, #tpu.memory_space<vmem>>
          %dma_start3A_222 = tpu.memref_squeeze %dma_start3A_221 : memref<1x16x128xi32, #tpu.memory_space<vmem>> -> memref<16x128xi32, #tpu.memory_space<vmem>>
          %dma_start3A_223 = arith.constant 0 : i32
          %dma_start3A_224 = tpu.memref_slice %dma_start3A_222[%add3A_142, %dma_start3A_223] : memref<16x128xi32, #tpu.memory_space<vmem>> -> memref<1x128xi32, #tpu.memory_space<vmem>>
          %dma_start3A_225 = tpu.memref_squeeze %dma_start3A_224 : memref<1x128xi32, #tpu.memory_space<vmem>> -> memref<128xi32, #tpu.memory_space<vmem>>
          %dma_start3A_226 = arith.constant 0 : i32
          %dma_start3A_227 = arith.constant 0 : i32
          %dma_start3A_228 = tpu.memref_slice %arg11[%dma_start3A_226, %dma_start3A_227] : memref<10112x128xf32, #tpu.memory_space<vmem_shared>> -> memref<10112x128xf32, #tpu.memory_space<vmem_shared>>
          tpu.enqueue_indirect_dma source(%dma_start3A_218 : memref<128x128xf32, #tpu.memory_space<vmem>>) target(%dma_start3A_228 : memref<10112x128xf32, #tpu.memory_space<vmem_shared>>) offsets(%dma_start3A_225 : memref<128xi32, #tpu.memory_space<vmem>>) semaphore(%run_scoped3A_214 : memref<!tpu.dma_semaphore, #tpu.memory_space<semaphore_mem>>) {add = true}
          %dma_wait3A_229 = arith.constant 0 : i32
          %dma_wait3A_230 = arith.constant 0 : i32
          %dma_wait3A_231 = tpu.memref_slice %arg9[%run_scoped3A_159, %dma_wait3A_229, %dma_wait3A_230] : memref<2x128x128xf32, #tpu.memory_space<vmem>> -> memref<1x128x128xf32, #tpu.memory_space<vmem>>
          %dma_wait3A_232 = tpu.memref_squeeze %dma_wait3A_231 : memref<1x128x128xf32, #tpu.memory_space<vmem>> -> memref<128x128xf32, #tpu.memory_space<vmem>>
          %dma_wait3A_233 = arith.constant 0 : i32
          %dma_wait3A_234 = arith.constant 0 : i32
          %dma_wait3A_235 = tpu.memref_slice %arg7[%run_scoped3A_160, %dma_wait3A_233, %dma_wait3A_234] : memref<2x16x128xi32, #tpu.memory_space<vmem>> -> memref<1x16x128xi32, #tpu.memory_space<vmem>>
          %dma_wait3A_236 = tpu.memref_squeeze %dma_wait3A_235 : memref<1x16x128xi32, #tpu.memory_space<vmem>> -> memref<16x128xi32, #tpu.memory_space<vmem>>
          %dma_wait3A_237 = arith.constant 0 : i32
          %dma_wait3A_238 = tpu.memref_slice %dma_wait3A_236[%add3A_142, %dma_wait3A_237] : memref<16x128xi32, #tpu.memory_space<vmem>> -> memref<1x128xi32, #tpu.memory_space<vmem>>
          %dma_wait3A_239 = tpu.memref_squeeze %dma_wait3A_238 : memref<1x128xi32, #tpu.memory_space<vmem>> -> memref<128xi32, #tpu.memory_space<vmem>>
          %dma_wait3A_240 = arith.constant 0 : i32
          %dma_wait3A_241 = arith.constant 0 : i32
          %dma_wait3A_242 = tpu.memref_slice %arg11[%dma_wait3A_240, %dma_wait3A_241] : memref<10112x128xf32, #tpu.memory_space<vmem_shared>> -> memref<10112x128xf32, #tpu.memory_space<vmem_shared>>
          tpu.wait_indirect_dma semaphore(%run_scoped3A_214 : memref<!tpu.dma_semaphore, #tpu.memory_space<semaphore_mem>>) src(%dma_wait3A_232 : memref<128x128xf32, #tpu.memory_space<vmem>>) dst(%dma_wait3A_242 : memref<10112x128xf32, #tpu.memory_space<vmem_shared>>)
          tpu.yield
        }) : () -> ()
        %lt3A_161 = arith.constant 7 : i32
        %lt3A_162 = arith.cmpi slt, %add3A_68, %lt3A_161 : i32
        %convert_element_type3A_163 = arith.extui %lt3A_162 : i1 to i32
        %cond3A_164 = arith.constant 0 : i32
        %cond3A_165 = arith.cmpi ne, %convert_element_type3A_163, %cond3A_164 : i32
        scf.if %cond3A_165 {
          %add3A_214 = arith.constant 2 : i32
          %add3A_215 = arith.addi %add3A_142, %add3A_214 : i32
          %dma_start3A_216 = arith.constant 0 : i32
          %dma_start3A_217 = arith.constant 1 : i32
          %dma_start3A_218 = arith.constant 0 : i32
          %dma_start3A_219 = arith.constant 0 : i32
          %dma_start3A_220 = tpu.memref_slice %arg9[%dma_start3A_217, %dma_start3A_218, %dma_start3A_219] : memref<2x128x128xf32, #tpu.memory_space<vmem>> -> memref<1x128x128xf32, #tpu.memory_space<vmem>>
          %dma_start3A_221 = tpu.memref_squeeze %dma_start3A_220 : memref<1x128x128xf32, #tpu.memory_space<vmem>> -> memref<128x128xf32, #tpu.memory_space<vmem>>
          %dma_start3A_222 = arith.constant 0 : i32
          %dma_start3A_223 = arith.constant 0 : i32
          %dma_start3A_224 = tpu.memref_slice %arg7[%dma_start3A_216, %dma_start3A_222, %dma_start3A_223] : memref<2x16x128xi32, #tpu.memory_space<vmem>> -> memref<1x16x128xi32, #tpu.memory_space<vmem>>
          %dma_start3A_225 = tpu.memref_squeeze %dma_start3A_224 : memref<1x16x128xi32, #tpu.memory_space<vmem>> -> memref<16x128xi32, #tpu.memory_space<vmem>>
          %dma_start3A_226 = arith.constant 0 : i32
          %dma_start3A_227 = tpu.memref_slice %dma_start3A_225[%add3A_215, %dma_start3A_226] : memref<16x128xi32, #tpu.memory_space<vmem>> -> memref<1x128xi32, #tpu.memory_space<vmem>>
          %dma_start3A_228 = tpu.memref_squeeze %dma_start3A_227 : memref<1x128xi32, #tpu.memory_space<vmem>> -> memref<128xi32, #tpu.memory_space<vmem>>
          %dma_start3A_229 = arith.constant 0 : i32
          %dma_start3A_230 = arith.constant 0 : i32
          %dma_start3A_231 = tpu.memref_slice %arg2[%dma_start3A_229, %dma_start3A_230] : memref<20632x128xf32, #tpu.memory_space<hbm>> -> memref<20632x128xf32, #tpu.memory_space<hbm>>
          tpu.enqueue_indirect_dma source(%dma_start3A_231 : memref<20632x128xf32, #tpu.memory_space<hbm>>) target(%dma_start3A_221 : memref<128x128xf32, #tpu.memory_space<vmem>>) offsets(%dma_start3A_228 : memref<128xi32, #tpu.memory_space<vmem>>) semaphore(%arg13 : memref<!tpu.dma_semaphore, #tpu.memory_space<semaphore_mem>>)
        } else {
        }
        %mul3A_166 = arith.constant 128 : i32
        %mul3A_167 = arith.muli %add3A_142, %mul3A_166 : i32
        %add3A_168 = arith.constant 0 : i32
        %add3A_169 = arith.addi %mul3A_167, %add3A_168 : i32
        %get3A_170 = arith.index_cast %add3A_169 : i32 to index
        %get3A_171 = tpu.vector_load %arg8[%get3A_170] {strides = array<i32>} : memref<2048xi32, #tpu.memory_space<vmem>>, vector<16xi32>,
        tpu.vector_store_idx %arg10[%get3A_171], %broadcast_in_dim3A_5 {add = true} : memref<10112xf32, #tpu.memory_space<vmem>>[vector<16xi32>], vector<16xf32>,
        %mul3A_172 = arith.constant 128 : i32
        %mul3A_173 = arith.muli %add3A_142, %mul3A_172 : i32
        %add3A_174 = arith.constant 16 : i32
        %add3A_175 = arith.addi %mul3A_173, %add3A_174 : i32
        %get3A_176 = arith.index_cast %add3A_175 : i32 to index
        %get3A_177 = tpu.vector_load %arg8[%get3A_176] {strides = array<i32>} : memref<2048xi32, #tpu.memory_space<vmem>>, vector<16xi32>,
        tpu.vector_store_idx %arg10[%get3A_177], %broadcast_in_dim3A_5 {add = true} : memref<10112xf32, #tpu.memory_space<vmem>>[vector<16xi32>], vector<16xf32>,
        %mul3A_178 = arith.constant 128 : i32
        %mul3A_179 = arith.muli %add3A_142, %mul3A_178 : i32
        %add3A_180 = arith.constant 32 : i32
        %add3A_181 = arith.addi %mul3A_179, %add3A_180 : i32
        %get3A_182 = arith.index_cast %add3A_181 : i32 to index
        %get3A_183 = tpu.vector_load %arg8[%get3A_182] {strides = array<i32>} : memref<2048xi32, #tpu.memory_space<vmem>>, vector<16xi32>,
        tpu.vector_store_idx %arg10[%get3A_183], %broadcast_in_dim3A_5 {add = true} : memref<10112xf32, #tpu.memory_space<vmem>>[vector<16xi32>], vector<16xf32>,
        %mul3A_184 = arith.constant 128 : i32
        %mul3A_185 = arith.muli %add3A_142, %mul3A_184 : i32
        %add3A_186 = arith.constant 48 : i32
        %add3A_187 = arith.addi %mul3A_185, %add3A_186 : i32
        %get3A_188 = arith.index_cast %add3A_187 : i32 to index
        %get3A_189 = tpu.vector_load %arg8[%get3A_188] {strides = array<i32>} : memref<2048xi32, #tpu.memory_space<vmem>>, vector<16xi32>,
        tpu.vector_store_idx %arg10[%get3A_189], %broadcast_in_dim3A_5 {add = true} : memref<10112xf32, #tpu.memory_space<vmem>>[vector<16xi32>], vector<16xf32>,
        %mul3A_190 = arith.constant 128 : i32
        %mul3A_191 = arith.muli %add3A_142, %mul3A_190 : i32
        %add3A_192 = arith.constant 64 : i32
        %add3A_193 = arith.addi %mul3A_191, %add3A_192 : i32
        %get3A_194 = arith.index_cast %add3A_193 : i32 to index
        %get3A_195 = tpu.vector_load %arg8[%get3A_194] {strides = array<i32>} : memref<2048xi32, #tpu.memory_space<vmem>>, vector<16xi32>,
        tpu.vector_store_idx %arg10[%get3A_195], %broadcast_in_dim3A_5 {add = true} : memref<10112xf32, #tpu.memory_space<vmem>>[vector<16xi32>], vector<16xf32>,
        %mul3A_196 = arith.constant 128 : i32
        %mul3A_197 = arith.muli %add3A_142, %mul3A_196 : i32
        %add3A_198 = arith.constant 80 : i32
        %add3A_199 = arith.addi %mul3A_197, %add3A_198 : i32
        %get3A_200 = arith.index_cast %add3A_199 : i32 to index
        %get3A_201 = tpu.vector_load %arg8[%get3A_200] {strides = array<i32>} : memref<2048xi32, #tpu.memory_space<vmem>>, vector<16xi32>,
        tpu.vector_store_idx %arg10[%get3A_201], %broadcast_in_dim3A_5 {add = true} : memref<10112xf32, #tpu.memory_space<vmem>>[vector<16xi32>], vector<16xf32>,
        %mul3A_202 = arith.constant 128 : i32
        %mul3A_203 = arith.muli %add3A_142, %mul3A_202 : i32
        %add3A_204 = arith.constant 96 : i32
        %add3A_205 = arith.addi %mul3A_203, %add3A_204 : i32
        %get3A_206 = arith.index_cast %add3A_205 : i32 to index
        %get3A_207 = tpu.vector_load %arg8[%get3A_206] {strides = array<i32>} : memref<2048xi32, #tpu.memory_space<vmem>>, vector<16xi32>,
        tpu.vector_store_idx %arg10[%get3A_207], %broadcast_in_dim3A_5 {add = true} : memref<10112xf32, #tpu.memory_space<vmem>>[vector<16xi32>], vector<16xf32>,
        %mul3A_208 = arith.constant 128 : i32
        %mul3A_209 = arith.muli %add3A_142, %mul3A_208 : i32
        %add3A_210 = arith.constant 112 : i32
        %add3A_211 = arith.addi %mul3A_209, %add3A_210 : i32
        %get3A_212 = arith.index_cast %add3A_211 : i32 to index
        %get3A_213 = tpu.vector_load %arg8[%get3A_212] {strides = array<i32>} : memref<2048xi32, #tpu.memory_space<vmem>>, vector<16xi32>,
        tpu.vector_store_idx %arg10[%get3A_213], %broadcast_in_dim3A_5 {add = true} : memref<10112xf32, #tpu.memory_space<vmem>>[vector<16xi32>], vector<16xf32>,
      }
      %scan3A_63 = arith.constant 8 : i32
    }
    %scan3A_10 = arith.constant 10 : i32
    %barrier3A_11 = arith.constant 0 : index
    tpu.barrier barrier_id(%barrier3A_11)
    %mul3A_12 = arith.constant 632 : i32
    %mul3A_13 = arith.muli %arg1, %mul3A_12 : i32
    %mul3A_14 = arith.constant 632 : i32
    %mul3A_15 = arith.muli %arg1, %mul3A_14 : i32
    "tpu.region"() ({
      %run_scoped3A = tpu.sem_alloc : memref<!tpu.dma_semaphore, #tpu.memory_space<semaphore_mem>>
      %dma_start3A = arith.constant 0 : i32
      %dma_start3A_16 = arith.constant 0 : i32
      %dma_start3A_17 = tpu.memref_slice %arg5[%arg0, %dma_start3A, %dma_start3A_16] : memref<2x10112x128xf32, #tpu.memory_space<hbm>> -> memref<1x10112x128xf32, #tpu.memory_space<hbm>>
      %dma_start3A_18 = tpu.memref_squeeze %dma_start3A_17 : memref<1x10112x128xf32, #tpu.memory_space<hbm>> -> memref<10112x128xf32, #tpu.memory_space<hbm>>
      %dma_start3A_19 = arith.constant 0 : i32
      %dma_start3A_20 = tpu.memref_slice %dma_start3A_18[%mul3A_15, %dma_start3A_19] : memref<10112x128xf32, #tpu.memory_space<hbm>> -> memref<632x128xf32, #tpu.memory_space<hbm>>
      %dma_start3A_21 = arith.constant 0 : i32
      %dma_start3A_22 = tpu.memref_slice %arg11[%mul3A_13, %dma_start3A_21] : memref<10112x128xf32, #tpu.memory_space<vmem_shared>> -> memref<632x128xf32, #tpu.memory_space<vmem_shared>>
      tpu.enqueue_dma source(%dma_start3A_22 : memref<632x128xf32, #tpu.memory_space<vmem_shared>>) target(%dma_start3A_20 : memref<632x128xf32, #tpu.memory_space<hbm>>) target_semaphore(%run_scoped3A : memref<!tpu.dma_semaphore, #tpu.memory_space<semaphore_mem>>)
      %dma_wait3A = arith.constant 0 : i32
      %dma_wait3A_23 = arith.constant 0 : i32
      %dma_wait3A_24 = tpu.memref_slice %arg5[%arg0, %dma_wait3A, %dma_wait3A_23] : memref<2x10112x128xf32, #tpu.memory_space<hbm>> -> memref<1x10112x128xf32, #tpu.memory_space<hbm>>
      %dma_wait3A_25 = tpu.memref_squeeze %dma_wait3A_24 : memref<1x10112x128xf32, #tpu.memory_space<hbm>> -> memref<10112x128xf32, #tpu.memory_space<hbm>>
      %dma_wait3A_26 = arith.constant 0 : i32
      %dma_wait3A_27 = tpu.memref_slice %dma_wait3A_25[%mul3A_15, %dma_wait3A_26] : memref<10112x128xf32, #tpu.memory_space<hbm>> -> memref<632x128xf32, #tpu.memory_space<hbm>>
      %dma_wait3A_28 = arith.constant 0 : i32
      %dma_wait3A_29 = tpu.memref_slice %arg11[%mul3A_13, %dma_wait3A_28] : memref<10112x128xf32, #tpu.memory_space<vmem_shared>> -> memref<632x128xf32, #tpu.memory_space<vmem_shared>>
      tpu.wait_dma2 semaphore(%run_scoped3A : memref<!tpu.dma_semaphore, #tpu.memory_space<semaphore_mem>>) src(%dma_wait3A_29 : memref<632x128xf32, #tpu.memory_space<vmem_shared>>) dst(%dma_wait3A_27 : memref<632x128xf32, #tpu.memory_space<hbm>>)
      tpu.yield
    }) : () -> ()
    "tpu.region"() ({
      %run_scoped3A = tpu.sem_alloc : memref<!tpu.dma_semaphore, #tpu.memory_space<semaphore_mem>>
      %dma_start3A = arith.constant 0 : i32
      %dma_start3A_16 = arith.constant 0 : i32
      %dma_start3A_17 = tpu.memref_slice %arg6[%arg0, %dma_start3A, %dma_start3A_16] : memref<2x16x10112xf32, #tpu.memory_space<hbm>> -> memref<1x16x10112xf32, #tpu.memory_space<hbm>>
      %dma_start3A_18 = tpu.memref_squeeze %dma_start3A_17 : memref<1x16x10112xf32, #tpu.memory_space<hbm>> -> memref<16x10112xf32, #tpu.memory_space<hbm>>
      %dma_start3A_19 = arith.constant 0 : i32
      %dma_start3A_20 = tpu.memref_slice %dma_start3A_18[%arg1, %dma_start3A_19] : memref<16x10112xf32, #tpu.memory_space<hbm>> -> memref<1x10112xf32, #tpu.memory_space<hbm>>
      %dma_start3A_21 = tpu.memref_squeeze %dma_start3A_20 : memref<1x10112xf32, #tpu.memory_space<hbm>> -> memref<10112xf32, #tpu.memory_space<hbm>>
      %dma_start3A_22 = arith.constant 0 : i32
      %dma_start3A_23 = arith.constant 0 : i32
      %dma_start3A_24 = tpu.memref_slice %arg6[%arg0, %dma_start3A_22, %dma_start3A_23] : memref<2x16x10112xf32, #tpu.memory_space<hbm>> -> memref<1x16x10112xf32, #tpu.memory_space<hbm>>
      %dma_start3A_25 = tpu.memref_squeeze %dma_start3A_24 : memref<1x16x10112xf32, #tpu.memory_space<hbm>> -> memref<16x10112xf32, #tpu.memory_space<hbm>>
      %dma_start3A_26 = arith.constant 0 : i32
      %dma_start3A_27 = tpu.memref_slice %dma_start3A_25[%arg1, %dma_start3A_26] : memref<16x10112xf32, #tpu.memory_space<hbm>> -> memref<1x10112xf32, #tpu.memory_space<hbm>>
      %dma_start3A_28 = tpu.memref_squeeze %dma_start3A_27 : memref<1x10112xf32, #tpu.memory_space<hbm>> -> memref<10112xf32, #tpu.memory_space<hbm>>
      tpu.enqueue_dma source(%arg10 : memref<10112xf32, #tpu.memory_space<vmem>>) target(%dma_start3A_28 : memref<10112xf32, #tpu.memory_space<hbm>>) target_semaphore(%run_scoped3A : memref<!tpu.dma_semaphore, #tpu.memory_space<semaphore_mem>>)
      %dma_wait3A = arith.constant 0 : i32
      %dma_wait3A_29 = arith.constant 0 : i32
      %dma_wait3A_30 = tpu.memref_slice %arg6[%arg0, %dma_wait3A, %dma_wait3A_29] : memref<2x16x10112xf32, #tpu.memory_space<hbm>> -> memref<1x16x10112xf32, #tpu.memory_space<hbm>>
      %dma_wait3A_31 = tpu.memref_squeeze %dma_wait3A_30 : memref<1x16x10112xf32, #tpu.memory_space<hbm>> -> memref<16x10112xf32, #tpu.memory_space<hbm>>
      %dma_wait3A_32 = arith.constant 0 : i32
      %dma_wait3A_33 = tpu.memref_slice %dma_wait3A_31[%arg1, %dma_wait3A_32] : memref<16x10112xf32, #tpu.memory_space<hbm>> -> memref<1x10112xf32, #tpu.memory_space<hbm>>
      %dma_wait3A_34 = tpu.memref_squeeze %dma_wait3A_33 : memref<1x10112xf32, #tpu.memory_space<hbm>> -> memref<10112xf32, #tpu.memory_space<hbm>>
      %dma_wait3A_35 = arith.constant 0 : i32
      %dma_wait3A_36 = arith.constant 0 : i32
      %dma_wait3A_37 = tpu.memref_slice %arg6[%arg0, %dma_wait3A_35, %dma_wait3A_36] : memref<2x16x10112xf32, #tpu.memory_space<hbm>> -> memref<1x16x10112xf32, #tpu.memory_space<hbm>>
      %dma_wait3A_38 = tpu.memref_squeeze %dma_wait3A_37 : memref<1x16x10112xf32, #tpu.memory_space<hbm>> -> memref<16x10112xf32, #tpu.memory_space<hbm>>
      %dma_wait3A_39 = arith.constant 0 : i32
      %dma_wait3A_40 = tpu.memref_slice %dma_wait3A_38[%arg1, %dma_wait3A_39] : memref<16x10112xf32, #tpu.memory_space<hbm>> -> memref<1x10112xf32, #tpu.memory_space<hbm>>
      %dma_wait3A_41 = tpu.memref_squeeze %dma_wait3A_40 : memref<1x10112xf32, #tpu.memory_space<hbm>> -> memref<10112xf32, #tpu.memory_space<hbm>>
      tpu.wait_dma2 semaphore(%run_scoped3A : memref<!tpu.dma_semaphore, #tpu.memory_space<semaphore_mem>>) src(%arg10 : memref<10112xf32, #tpu.memory_space<vmem>>) dst(%dma_wait3A_41 : memref<10112xf32, #tpu.memory_space<hbm>>)
      tpu.yield
    }) : () -> ()
    return
  }
}

module attributes {stable_mosaic.version = 14 : i64} {
  func.func @body(%arg0: i32, %arg1: memref<1x1024x128xf32, #tpu.memory_space<vmem>>, %arg2: memref<1x1024x128xf32, #tpu.memory_space<vmem>>, %arg3: memref<1x16x1024xf32, #tpu.memory_space<vmem>>, %arg4: memref<1x16x1024xf32, #tpu.memory_space<vmem>>, %arg5: memref<1024x128xf32, #tpu.memory_space<vmem>>, %arg6: memref<128x128xf32, #tpu.memory_space<vmem>>, %arg7: memref<128x128xf32, #tpu.memory_space<vmem>>, %arg8: memref<128x128xf32, #tpu.memory_space<vmem>>, %arg9: memref<128x128xf32, #tpu.memory_space<vmem>>, %arg10: memref<1x128xf32, #tpu.memory_space<vmem>>, %arg11: memref<1x128xf32, #tpu.memory_space<vmem>>, %arg12: memref<1024x128xf32, #tpu.memory_space<vmem>>) attributes {dimension_semantics = [#tpu.dimension_semantics<arbitrary>], iteration_bounds = array<i64: 10>, scalar_prefetch = 0 : i64, scratch_operands = 0 : i64, tpu.core_type = #tpu.core_type<tc>, window_params = [{transform_indices = @transform_0, window_bounds = array<i64: 1, 1024, 128>}, {transform_indices = @transform_1, window_bounds = array<i64: 1, 1024, 128>}, {transform_indices = @transform_2, window_bounds = array<i64: 1, 16, 1024>}, {transform_indices = @transform_3, window_bounds = array<i64: 1, 16, 1024>}, {transform_indices = @transform_4, window_bounds = array<i64: 1024, 128>}, {pipeline_mode = #tpu.pipeline_mode<synchronous>, transform_indices = @transform_5, window_bounds = array<i64: 128, 128>}, {pipeline_mode = #tpu.pipeline_mode<synchronous>, transform_indices = @transform_6, window_bounds = array<i64: 128, 128>}, {pipeline_mode = #tpu.pipeline_mode<synchronous>, transform_indices = @transform_7, window_bounds = array<i64: 128, 128>}, {pipeline_mode = #tpu.pipeline_mode<synchronous>, transform_indices = @transform_8, window_bounds = array<i64: 128, 128>}, {pipeline_mode = #tpu.pipeline_mode<synchronous>, transform_indices = @transform_9, window_bounds = array<i64: 1, 128>}, {pipeline_mode = #tpu.pipeline_mode<synchronous>, transform_indices = @transform_10, window_bounds = array<i64: 1, 128>}, {transform_indices = @transform_11, window_bounds = array<i64: 1024, 128>}]} {
    %get3A = arith.constant 0 : index
    %get3A_0 = arith.constant 0 : index
    %get3A_1 = arith.constant 0 : index
    %get3A_2 = vector.load %arg3[%get3A, %get3A_0, %get3A_1] : memref<1x16x1024xf32, #tpu.memory_space<vmem>>, vector<1x16x1024xf32>
    %get3A_3 = vector.shape_cast %get3A_2 : vector<1x16x1024xf32> to vector<16x1024xf32>
    %reduce_sum3A = arith.constant dense<0.000000e+00> : vector<1024xf32>
    %reduce_sum3A_4 = vector.multi_reduction <add>, %get3A_3, %reduce_sum3A [0] : vector<16x1024xf32> to vector<1024xf32>
    %max3A = arith.constant 1.000000e+00 : f32
    %max3A_5 = vector.broadcast %max3A : f32 to vector<1024xf32>
    %max3A_6 = arith.maximumf %reduce_sum3A_4, %max3A_5 : vector<1024xf32>
    %broadcast_in_dim3A = vector.shape_cast %max3A_6 : vector<1024xf32> to vector<1024x1xf32>
    %div3A = arith.constant 1.000000e+00 : f32
    %div3A_7 = vector.broadcast %div3A : f32 to vector<1024x1xf32>
    %div3A_8 = arith.divf %div3A_7, %broadcast_in_dim3A : vector<1024x1xf32>
    %get3A_9 = arith.constant 0 : index
    %get3A_10 = arith.constant 0 : index
    %get3A_11 = arith.constant 0 : index
    %get3A_12 = vector.load %arg4[%get3A_9, %get3A_10, %get3A_11] : memref<1x16x1024xf32, #tpu.memory_space<vmem>>, vector<1x16x1024xf32>
    %get3A_13 = vector.shape_cast %get3A_12 : vector<1x16x1024xf32> to vector<16x1024xf32>
    %reduce_sum3A_14 = arith.constant dense<0.000000e+00> : vector<1024xf32>
    %reduce_sum3A_15 = vector.multi_reduction <add>, %get3A_13, %reduce_sum3A_14 [0] : vector<16x1024xf32> to vector<1024xf32>
    %max3A_16 = arith.constant 1.000000e+00 : f32
    %max3A_17 = vector.broadcast %max3A_16 : f32 to vector<1024xf32>
    %max3A_18 = arith.maximumf %reduce_sum3A_15, %max3A_17 : vector<1024xf32>
    %broadcast_in_dim3A_19 = vector.shape_cast %max3A_18 : vector<1024xf32> to vector<1024x1xf32>
    %div3A_20 = arith.constant 1.000000e+00 : f32
    %div3A_21 = vector.broadcast %div3A_20 : f32 to vector<1024x1xf32>
    %div3A_22 = arith.divf %div3A_21, %broadcast_in_dim3A_19 : vector<1024x1xf32>
    %get3A_23 = arith.constant 0 : index
    %get3A_24 = arith.constant 0 : index
    %get3A_25 = arith.constant 0 : index
    %get3A_26 = vector.load %arg1[%get3A_23, %get3A_24, %get3A_25] : memref<1x1024x128xf32, #tpu.memory_space<vmem>>, vector<1x1024x128xf32>
    %get3A_27 = vector.shape_cast %get3A_26 : vector<1x1024x128xf32> to vector<1024x128xf32>
    %mul3A = vector.broadcast %div3A_8 : vector<1024x1xf32> to vector<1024x128xf32>
    %mul3A_28 = arith.mulf %get3A_27, %mul3A : vector<1024x128xf32>
    %get3A_29 = arith.constant 0 : index
    %get3A_30 = arith.constant 0 : index
    %get3A_31 = vector.load %arg6[%get3A_29, %get3A_30] : memref<128x128xf32, #tpu.memory_space<vmem>>, vector<128x128xf32>
    %dot_general3A = arith.constant dense<0.000000e+00> : vector<1024x128xf32>
    %dot_general3A_32 = tpu.matmul %mul3A_28, %get3A_31, %dot_general3A {dimension_numbers = #tpu.dot_dimension_numbers<[1], [0], [0], [1], [0, 0, 1, 1], [], []>, precision = #tpu.contract_precision<fp32>, transpose_lhs_hint = false} : vector<1024x128xf32>, vector<128x128xf32>, vector<1024x128xf32> -> vector<1024x128xf32>
    %get3A_33 = arith.constant 0 : index
    %get3A_34 = arith.constant 0 : index
    %get3A_35 = arith.constant 0 : index
    %get3A_36 = vector.load %arg2[%get3A_33, %get3A_34, %get3A_35] : memref<1x1024x128xf32, #tpu.memory_space<vmem>>, vector<1x1024x128xf32>
    %get3A_37 = vector.shape_cast %get3A_36 : vector<1x1024x128xf32> to vector<1024x128xf32>
    %mul3A_38 = vector.broadcast %div3A_22 : vector<1024x1xf32> to vector<1024x128xf32>
    %mul3A_39 = arith.mulf %get3A_37, %mul3A_38 : vector<1024x128xf32>
    %get3A_40 = arith.constant 0 : index
    %get3A_41 = arith.constant 0 : index
    %get3A_42 = vector.load %arg7[%get3A_40, %get3A_41] : memref<128x128xf32, #tpu.memory_space<vmem>>, vector<128x128xf32>
    %dot_general3A_43 = arith.constant dense<0.000000e+00> : vector<1024x128xf32>
    %dot_general3A_44 = tpu.matmul %mul3A_39, %get3A_42, %dot_general3A_43 {dimension_numbers = #tpu.dot_dimension_numbers<[1], [0], [0], [1], [0, 0, 1, 1], [], []>, precision = #tpu.contract_precision<fp32>, transpose_lhs_hint = false} : vector<1024x128xf32>, vector<128x128xf32>, vector<1024x128xf32> -> vector<1024x128xf32>
    %add3A = arith.addf %dot_general3A_32, %dot_general3A_44 : vector<1024x128xf32>
    %get3A_45 = arith.constant 0 : index
    %get3A_46 = arith.constant 0 : index
    %get3A_47 = vector.load %arg5[%get3A_45, %get3A_46] : memref<1024x128xf32, #tpu.memory_space<vmem>>, vector<1024x128xf32>
    %get3A_48 = arith.constant 0 : index
    %get3A_49 = arith.constant 0 : index
    %get3A_50 = vector.load %arg8[%get3A_48, %get3A_49] : memref<128x128xf32, #tpu.memory_space<vmem>>, vector<128x128xf32>
    %get3A_51 = arith.constant 0 : index
    %get3A_52 = arith.constant 0 : index
    %get3A_53 = vector.load %arg9[%get3A_51, %get3A_52] : memref<128x128xf32, #tpu.memory_space<vmem>>, vector<128x128xf32>
    %add3A_54 = arith.addf %get3A_50, %get3A_53 : vector<128x128xf32>
    %dot_general3A_55 = arith.constant dense<0.000000e+00> : vector<1024x128xf32>
    %dot_general3A_56 = tpu.matmul %get3A_47, %add3A_54, %dot_general3A_55 {dimension_numbers = #tpu.dot_dimension_numbers<[1], [0], [0], [1], [0, 0, 1, 1], [], []>, precision = #tpu.contract_precision<fp32>, transpose_lhs_hint = false} : vector<1024x128xf32>, vector<128x128xf32>, vector<1024x128xf32> -> vector<1024x128xf32>
    %add3A_57 = arith.addf %add3A, %dot_general3A_56 : vector<1024x128xf32>
    %get3A_58 = arith.constant 0 : index
    %get3A_59 = arith.constant 0 : index
    %get3A_60 = vector.load %arg10[%get3A_58, %get3A_59] : memref<1x128xf32, #tpu.memory_space<vmem>>, vector<1x128xf32>
    %add3A_61 = vector.broadcast %get3A_60 : vector<1x128xf32> to vector<1024x128xf32>
    %add3A_62 = arith.addf %add3A_57, %add3A_61 : vector<1024x128xf32>
    %get3A_63 = arith.constant 0 : index
    %get3A_64 = arith.constant 0 : index
    %get3A_65 = vector.load %arg11[%get3A_63, %get3A_64] : memref<1x128xf32, #tpu.memory_space<vmem>>, vector<1x128xf32>
    %add3A_66 = vector.broadcast %get3A_65 : vector<1x128xf32> to vector<1024x128xf32>
    %add3A_67 = arith.addf %add3A_62, %add3A_66 : vector<1024x128xf32>
    %swap3A = arith.constant 0 : index
    %swap3A_68 = arith.constant 0 : index
    %swap3A_69 = vector.load %arg12[%swap3A, %swap3A_68] : memref<1024x128xf32, #tpu.memory_space<vmem>>, vector<1024x128xf32>
    tpu.vector_store %arg12[%swap3A, %swap3A_68], %add3A_67 {strides = array<i32>} : memref<1024x128xf32, #tpu.memory_space<vmem>>, vector<1024x128xf32>,
    return
  }
  func.func @transform_0(%arg0: i32) -> (i32, i32, i32) {
    %c0_i32 = arith.constant 0 : i32
    %c0_i32_0 = arith.constant 0 : i32
    %c0_i32_1 = arith.constant 0 : i32
    return %c0_i32, %arg0, %c0_i32_0 : i32, i32, i32
  }
  func.func @transform_1(%arg0: i32) -> (i32, i32, i32) {
    %c1_i32 = arith.constant 1 : i32
    %c0_i32 = arith.constant 0 : i32
    %c0_i32_0 = arith.constant 0 : i32
    return %c1_i32, %arg0, %c0_i32 : i32, i32, i32
  }
  func.func @transform_2(%arg0: i32) -> (i32, i32, i32) {
    %c0_i32 = arith.constant 0 : i32
    %c0_i32_0 = arith.constant 0 : i32
    %c0_i32_1 = arith.constant 0 : i32
    return %c0_i32, %c0_i32_0, %arg0 : i32, i32, i32
  }
  func.func @transform_3(%arg0: i32) -> (i32, i32, i32) {
    %c1_i32 = arith.constant 1 : i32
    %c0_i32 = arith.constant 0 : i32
    %c0_i32_0 = arith.constant 0 : i32
    return %c1_i32, %c0_i32, %arg0 : i32, i32, i32
  }
  func.func @transform_4(%arg0: i32) -> (i32, i32) {
    %c0_i32 = arith.constant 0 : i32
    %c0_i32_0 = arith.constant 0 : i32
    return %arg0, %c0_i32 : i32, i32
  }
  func.func @transform_5(%arg0: i32) -> (i32, i32) {
    %c0_i32 = arith.constant 0 : i32
    %c0_i32_0 = arith.constant 0 : i32
    %c0_i32_1 = arith.constant 0 : i32
    return %c0_i32, %c0_i32_0 : i32, i32
  }
  func.func @transform_6(%arg0: i32) -> (i32, i32) {
    %c0_i32 = arith.constant 0 : i32
    %c0_i32_0 = arith.constant 0 : i32
    %c0_i32_1 = arith.constant 0 : i32
    return %c0_i32, %c0_i32_0 : i32, i32
  }
  func.func @transform_7(%arg0: i32) -> (i32, i32) {
    %c0_i32 = arith.constant 0 : i32
    %c0_i32_0 = arith.constant 0 : i32
    %c0_i32_1 = arith.constant 0 : i32
    return %c0_i32, %c0_i32_0 : i32, i32
  }
  func.func @transform_8(%arg0: i32) -> (i32, i32) {
    %c0_i32 = arith.constant 0 : i32
    %c0_i32_0 = arith.constant 0 : i32
    %c0_i32_1 = arith.constant 0 : i32
    return %c0_i32, %c0_i32_0 : i32, i32
  }
  func.func @transform_9(%arg0: i32) -> (i32, i32) {
    %c0_i32 = arith.constant 0 : i32
    %c0_i32_0 = arith.constant 0 : i32
    %c0_i32_1 = arith.constant 0 : i32
    return %c0_i32, %c0_i32_0 : i32, i32
  }
  func.func @transform_10(%arg0: i32) -> (i32, i32) {
    %c0_i32 = arith.constant 0 : i32
    %c0_i32_0 = arith.constant 0 : i32
    %c0_i32_1 = arith.constant 0 : i32
    return %c0_i32, %c0_i32_0 : i32, i32
  }
  func.func @transform_11(%arg0: i32) -> (i32, i32) {
    %c0_i32 = arith.constant 0 : i32
    %c0_i32_0 = arith.constant 0 : i32
    return %arg0, %c0_i32 : i32, i32
  }
}

</mosaic_0001>

<sc_bundles>
// kernel: kernel.4.cloned.1.call-start
scs
__scs_entry_jumppad:
0x0: {  	(pc) =	sbr.rel $0x88, $3  }
0x1: {  	(tag) =	ssettag $0x0;
	lr =	simm.s32 $0x1  }
0x2: {  	[smem:$0x3F97] =	sst lr;
	_ =	strace $0xD0000000  }
0x3: {  	_ = 	snop  }
0x4: {  	_ = 	snop  }
0x5: {  	_ = 	snop  }
0x6: {  	_ = 	snop  }
0x7: {  	_ = 	snop  }
__scs_overlays_trampoline_lowered:
0x8: {  	[smem:$0x3FA6] =	sst s0  }
0x9: {  	[smem:$0x3FA7] =	sst s1  }
0xa: {  	[smem:$0x3FA8] =	sst s2  }
0xb: {  	[smem:$0x3FA9] =	sst s3  }
0xc: {  	[smem:$0x3FAA] =	sst s4  }
0xd: {  	[smem:$0x3FAB] =	sst s5  }
0xe: {  	[smem:$0x3FAC] =	sst s6  }
0xf: {  	[smem:$0x3FAD] =	sst s7  }
0x10: {  	[smem:$0x3FAE] =	sst s8  }
0x11: {  	[smem:$0x3FAF] =	sst s9;
	s0 =	simm.s32 @!p0 $0x0  }
0x12: {  	s1 =	sld [smem:$0x3F95];
	s0 =	simm.s32 @p0 $0x1  }
0x13: {  	[smem:$0x3FB0] =	sst s0;
	s0 =	simm.s32 @!p1 $0x0  }
0x14: {  	s2 =	sld [smem:$0x3F94];
	s0 =	simm.s32 @p1 $0x1  }
0x15: {  	[smem:$0x3FB1] =	sst s0;
	s0 =	simm.s32 @!p2 $0x0  }
0x16: {  	s3 =	sld [smem:$0x3FDB];
	s0 =	simm.s32 @p2 $0x1  }
0x17: {  	s4 =	simm.s32 $0x1BF5;
	[smem:$0x3FB3] =	sst s0  }
0x18: {  	s0 =	sld [smem:$0x3F96];
	_ =	swait.ge [sflag:s4], $0x0  }
0x19: {  	s7 =	sld [smem:$0x3F97]  }
0x1a: {  	s8 =	sadd.s32 $0xFFFFE003, lr  }
0x1b: {  	s9 =	sadd.s32 $0xFFFFFEF7, lr;
	s5 =	simm.s32 $0xFFFFFFFF;
	p2 =	slt.u32 s8, $0xFFFFF086  }
0x1c: {  	p1 =	slt.u32 s9, $0xF7A;
	s5 =	simm.s32 @!p2 $0x0  }
0x1d: {  	s5 =	simm.s32 @p1 $0x1;
	p0 =	seq.s32 s7, s2  }
0x1e: {  	s7 =	smul.u32 @!p0 $0xF7A, s2;
	p2 =	seq.s32 @!p0 s5, $0x0  }
0x1f: {  	s9 =	smul.u32 $0xF7A, s1;
	s8 =	simm.s32 @!p0 $0x1BF5;
	p2 =	por !p2, p0  }
0x20: {  	[sflag:s8] =	ssyncset.s32 @!p0 $0xFFFFF086;
	s6 =	sadd.s32 @!p0 s3, s7;
	s7 =	simm.s32 @!p0 $0x108  }
0x21: {  	s3 =	sadd.s32 s3, s9;
	s6 =	sadd.s32 @!p0 $0x88, s6;
	s7 =	simm.s32 @p2 $0x1082  }
0x22: {  	[simem:s7], [sflag:s8] =	dma.local @!p0 [hbm:s6], $0xF7A  }
0x23: {  	s9 =	sor.u32 $0xD0000000, s2;
	s6 =	simm.s32 $0x108;
	_ =	swait.ge @!p0 [sflag:s8], $0x0  }
0x24: {  	s3 =	sadd.s32 $0x88, s3;
	s6 =	simm.s32 @!p1 $0x1082;
	[sflag:s4] =	ssyncset.s32 $0xFFFFF086  }
0x25: {  	[simem:s6], [sflag:s4] =	dma.local [hbm:s3], $0xF7A  }
0x26: {  	[smem:$0x3F97] =	sst s1;
	(tag) =	ssettag s2;
	_ =	strace s9  }
0x27: {  	s1 =	sld [smem:$0x3FA7]  }
0x28: {  	s2 =	sld [smem:$0x3FA8]  }
0x29: {  	s4 =	sld [smem:$0x3FAA]  }
0x2a: {  	p0 =	seq.s32 s5, $0x0;
	s5 =	sld [smem:$0x3FAB]  }
0x2b: {  	s6 =	sld [smem:$0x3FAC]  }
0x2c: {  	s7 =	sld [smem:$0x3FAD]  }
0x2d: {  	s3 =	simm.s32 $0x108;
	s8 =	sld [smem:$0x3FAE]  }
0x2e: {  	s3 =	simm.s32 @!p0 $0x1082;
	s9 =	sld [smem:$0x3FAF]  }
0x2f: {  	lr =	sadd.s32 s0, s3;
	s0 =	sld [smem:$0x3FA6]  }
0x30: {  	s3 =	sld [smem:$0x3FA9]  }
0x31: {  	[smem:$0x3FB2] =	sst s10  }
0x32: {  	s10 =	sld [smem:$0x3FB0];
	_ =	sdelay $0x3  }
0x33: {  	p0 =	seq.s32 s10, $0x1;
	s10 =	sld [smem:$0x3FB2];
	_ =	sdelay $0x3  }
0x34: {  	[smem:$0x3FB2] =	sst s10  }
0x35: {  	s10 =	sld [smem:$0x3FB1];
	_ =	sdelay $0x3  }
0x36: {  	p1 =	seq.s32 s10, $0x1;
	s10 =	sld [smem:$0x3FB2];
	_ =	sdelay $0x3  }
0x37: {  	[smem:$0x3FB2] =	sst s10  }
0x38: {  	s10 =	sld [smem:$0x3FB3]  }
0x39: {  	_ = 	snop;
	(pc) =	sbr.ind lr, $3  }
0x3a: {  	_ = 	snop  }
0x3b: {  	_ = 	snop  }
0x3c: {  	p2 =	seq.s32 s10, $0x1;
	s10 =	sld [smem:$0x3FB2]  }
0x3d: {  	_ =	shalt  }
0x3e: {  	_ =	shalt  }
0x3f: {  	_ =	shalt  }
0x40: {  	_ =	shalt  }
0x41: {  	_ =	shalt  }
0x42: {  	_ =	shalt  }
0x43: {  	_ =	shalt  }
0x44: {  	_ =	shalt  }
0x45: {  	_ =	shalt  }
0x46: {  	_ =	shalt  }
0x47: {  	_ =	shalt  }
0x48: {  	_ =	shalt  }
0x49: {  	_ =	shalt  }
0x4a: {  	_ =	shalt  }
0x4b: {  	_ =	shalt  }
0x4c: {  	_ =	shalt  }
0x4d: {  	_ =	shalt  }
0x4e: {  	_ =	shalt  }
0x4f: {  	_ =	shalt  }
0x50: {  	_ =	shalt  }
0x51: {  	_ =	shalt  }
0x52: {  	_ =	shalt  }
0x53: {  	_ =	shalt  }
0x54: {  	_ =	shalt  }
0x55: {  	_ =	shalt  }
0x56: {  	_ =	shalt  }
0x57: {  	_ =	shalt  }
0x58: {  	_ =	shalt  }
0x59: {  	_ =	shalt  }
0x5a: {  	_ =	shalt  }
0x5b: {  	_ =	shalt  }
0x5c: {  	_ =	shalt  }
0x5d: {  	_ =	shalt  }
0x5e: {  	_ =	shalt  }
0x5f: {  	_ =	shalt  }
0x60: {  	_ =	shalt  }
0x61: {  	_ =	shalt  }
0x62: {  	_ =	shalt  }
0x63: {  	_ =	shalt  }
0x64: {  	_ =	shalt  }
0x65: {  	_ =	shalt  }
0x66: {  	_ =	shalt  }
0x67: {  	_ =	shalt  }
0x68: {  	_ =	shalt  }
0x69: {  	_ =	shalt  }
0x6a: {  	_ =	shalt  }
0x6b: {  	_ =	shalt  }
0x6c: {  	_ =	shalt  }
0x6d: {  	_ =	shalt  }
0x6e: {  	_ =	shalt  }
0x6f: {  	_ =	shalt  }
0x70: {  	_ =	shalt  }
0x71: {  	_ =	shalt  }
0x72: {  	_ =	shalt  }
0x73: {  	_ =	shalt  }
0x74: {  	_ =	shalt  }
0x75: {  	_ =	shalt  }
0x76: {  	_ =	shalt  }
0x77: {  	_ =	shalt  }
0x78: {  	_ =	shalt  }
0x79: {  	_ =	shalt  }
0x7a: {  	_ =	shalt  }
0x7b: {  	_ =	shalt  }
0x7c: {  	_ =	shalt  }
0x7d: {  	_ =	shalt  }
0x7e: {  	_ =	shalt  }
0x7f: {  	_ =	shalt  }
0x80: {  	_ =	shalt  }
0x81: {  	_ =	shalt  }
0x82: {  	_ =	shalt  }
0x83: {  	_ =	shalt  }
0x84: {  	_ =	shalt  }
0x85: {  	_ =	shalt  }
0x86: {  	_ =	shalt  }
0x87: {  	_ =	shalt  }
.Lfunc_end0:
.L_simem_size_0:
called_computation_lowered:
.L_overlay_start_0:
0x88: {  	s2 =	sld [smem:$0x3FD9]  }
0x89: {  	s3 =	sld [smem:$0x3FFE];
	_ =	sdelay $0x1  }
0x8a: {  	s1 =	srdreg.scid  }
0x8b: {  	s0 =	sand.u32 $0x1, s1  }
0x8c: {  	s17 =	sshll.u32 s0, $0xA;
	s2 =	sadd.s32 s3, s2  }
0x8d: {  	s2 =	sadd.s32 s2, s17  }
0x8e: {  	[smem:$0x3FBE] =	sst s2  }
0x8f: {  	_ = 	snop  }
0x90: {  	s2 =	sld [smem:$0x3FD0];
	(tm) =	ssettm $0x1  }
0x91: {  	s18 =	sld [smem:$0x3FFB];
	_ =	sdelay $0x3  }
0x92: {  	_ =	strace s18  }
0x93: {  	s3 =	sld [smem:$0x3FFC];
	_ =	sdelay $0x3  }
0x94: {  	_ =	strace s3  }
0x95: {  	s3 =	sld [smem:$0x3FFD];
	_ =	sdelay $0x3  }
0x96: {  	_ =	strace s3  }
0x97: {  	_ =	strace $0x8FFFFFFF  }
0x98: {  	s19 =	sld [smem:$0x3FDB];
	_ =	sdelay $0x1  }
0x99: {  	s4 =	simm.s32 $_scs_section_size  }
0x9a: {  	s5 =	simm.s32 $_size__tile_overlayer_lowered;
	s6 =	simm.s32 $_tile_overlayer_lowered  }
0x9b: {  	s22 =	simm.s32 $0x1BFF;
	s21 =	sshll.u32 s6, $0x1;
	s3 =	sadd.s32 s4, s19  }
0x9c: {  	s7 =	simm.s32 $0x0;
	s20 =	sshll.u32 s5, $0x1;
	s5 =	sadd.s32 s21, s3  }
0x9d: {  	[timem:s7], [sflag:s22] =	dma.local [hbm:s5], s20  }
0x9e: {  	_ =	swait.ge [sflag:s22], s20  }
0x9f: {  	s4 =	ssub.s32 $0x0, s20;
	[sflag:s22] =	ssyncset.done $0x0  }
0xa0: {  	[sflag:s22] =	ssyncadd.s32 s4;
	_ =	sdelay $0x1  }
0xa1: {  	s23 =	simm.s32 $0x1B8B  }
0xa2: {  	_ =	swait.ge [sflag:s23], $0x1  }
0xa3: {  	[sflag:s23] =	ssyncset.done $0x0  }
0xa4: {  	s25 =	simm.s32 $0x1B8E;
	s24 =	sld [smem:$0x3FFE];
	[sflag:s23] =	ssyncadd.s32 $0xFFFFFFFF  }
0xa5: {  	s26 =	simm.s32 $execute0_lowered;
	[smem:$0x3FD2] =	sst s25  }
0xa6: {  	s5 =	sshll.u32 s26, $0x1;
	_ =	strace $0x80000046;
	[dreg:$0x1] =	wrdreg $0xFFFFFFFF  }
0xa7: {  	s28 =	simm.s32 $_size_execute0_lowered;
	s3 =	sadd.s32 s3, s5;
	[dreg:$0x0] =	wrdreg $0x0  }
0xa8: {  	s5 =	sshll.u32 s28, $0x1;
	[dreg:$0x2] =	wrdreg s3  }
0xa9: {  	[dreg:$0x3] =	wrdreg s5  }
0xaa: {  	[dreg:$0x4] =	wrdreg $0xC0  }
0xab: {  	_ =	task [dreg:s7], $0x5FFFF  }
0xac: {  	[dreg:$0x1] =	wrdreg $0xFFFFFFFF  }
0xad: {  	[dreg:$0x0] =	wrdreg $0x60  }
0xae: {  	[dreg:$0x2] =	wrdreg s24  }
0xaf: {  	[dreg:$0x3] =	wrdreg s2  }
0xb0: {  	[dreg:$0x4] =	wrdreg $0xBF800  }
0xb1: {  	[dreg:$0x5] =	wrdreg $0x9  }
0xb2: {  	_ =	task.clear_ibuf [dreg:s7], $0x6FFFF;
	_ =	strace $0x90000046  }
0xb3: {  	s29 =	simm.s32 $0x9;
	_ =	strace $0x80000048  }
0xb4: {  	_ =	swait.ge [sflag:s29], $0x1  }
0xb5: {  	[sflag:s29] =	ssyncadd.s32 $0xFFFFFFFF  }
0xb6: {  	_ =	strace $0x90000048  }
0xb7: {  	_ =	sfence  }
0xb8: {  	s30 =	sld [smem:$0x0];
	_ =	sdelay $0x2  }
0xb9: {  	s31 =	sshll.u32 s1, $0xD;
	s1 =	sshrl.u32 s1, $0x2  }
0xba: {  	s3 =	sand.u32 $0x4000, s31;
	s1 =	sadd.s32 s1, s30  }
0xbb: {  	s0 =	sor.u32 s3, s0;
	s1 =	sshll.u32 s1, $0x11  }
0xbc: {  	s0 =	sor.u32 s1, s0  }
0xbd: {  	s0 =	sadd.s32 $0x8F2B, s0  }
0xbe: {  	[sflag:s0] =	ssyncadd.remote.s32 $0x1  }
0xbf: {  	_ =	sfence.sel $0xFFFF  }
0xc0: {  	[dreg:$0x0] =	wrdreg $0xFFFFFFFF;
	(pc) =	sbr.abs _section_cstart, $3  }
0xc1: {  	[dreg:$0x1] =	wrdreg $0xFFFFFFFF  }
0xc2: {  	_ =	task.clear_ibuf [dreg:s7], $0x2FFFF;
	_ =	strace $0x9FFFFFFF  }
0xc3: {  	(tm) =	ssettm $0x7FFFFFFF  }
tec
execute0_lowered:
.L_overlay_start_1:
0x0: {  	(tag) =	ssettag $0x1  }
0x1: {  	s5 =	rddreg [dreg:$0x0]  }
0x2: {  	s7 =	rddreg [dreg:$0x1]  }
0x3: {  	s1 =	rddreg [dreg:$0x2];
	s2 =	simm.s32 $0x0;
	s3 =	srdreg.scid  }
0x4: {  	s18 =	simm.s32 $0x5800;
	s19 =	simm.s32 $0x1;
	s8 =	sand.u32 $0x1, s3  }
0x5: {  	s20 =	simm.s32 $0x9800;
	s3 =	stileid.u32;
	s6 =	smul.u32 $0x14000, s8  }
0x6: {  	s21 =	simm.s32 $0x2;
	s26 =	simm.s32 $0x400;
	s9 =	smul.u32 $0x4F000, s3  }
0x7: {  	[smem:$0x7FF] =	sst s2;
	s4 =	sadd.s32 $0x29A00, s5;
	s10 =	smul.u32 $0x27800, s8  }
0x8: {  	_ =	strace $0x80000047;
	s11 =	ssub.s32 $0x2, s8;
	s13 =	smul.u32 $0x1400, s3  }
0x9: {  	s29 =	sshll.u32 s3, $0x6;
	s8 =	smul.u32 $0x4F00, s8;
	s14 =	sshrl.u32 s3, $0x3  }
0xa: {  	s16 =	sshll.u32 s3, $0x7;
	s23 =	smul.u32 $0x2780, s3;
	s28 =	sshrl.u32 s11, $0x1  }
0xb: {  	s14 =	smul.u32 $0x13C00, s14;
	s30 =	sand.u32 $0x380, s16;
	s16 =	simm.s32 $0x1000  }
0xc: {  	s12 =	sadd.s32 s6, s5;
	s9 =	sshrl.u32 s9, $0x2;
	s10 =	sadd.s32 s10, s5  }
0xd: {  	s11 =	ssub.s32 s11, s28;
	s5 =	sadd.s32 $0x77C00, s5;
	s6 =	sor.u32 $0x1C03, s29  }
0xe: {  	s24 =	sadd.s32 s7, s8;
	s9 =	sadd.s32 s9, s1;
	s15 =	sadd.s32 $0x1A00, s12  }
0xf: {  	s17 =	sadd.s32 $0x7A400, s12;
	s22 =	sadd.s32 $0xA2400, s10;
	s31 =	sor.u32 s30, s14  }
0x10: {  	s7 =	smax.u32 s11, $0x1;
	s11 =	simm.s32 $0x800;
	s12 =	simm.s32 $0x5000  }
0x11: {  	s14 =	simm.s32 $0x80;
	s25 =	sshrl.u32 s31, $0x3;
	s8 =	sshrl.u32 s9, $0x3  }
0x12: {  	s9 =	simm.s32 $0x3;
	s10 =	sadd.s32 s13, s15;
	s13 =	sadd.s32 s13, s17  }
0x13: {  	s15 =	simm.s32 $0x100;
	s17 =	simm.s32 $0x1800;
	s22 =	sadd.s32 s23, s22  }
0x14: {  	v0 =	vimm.f32 $0.0e+00;
	v1 =	vimm.f32 $1.000000000e+00;
	s23 =	simm.s32 $0xF00;
	s24 =	sadd.s32 s25, s24;
	s25 =	simm.s32 $0xF80  }
.LBB2_1:
0x15: {  	s28 =	simm.s32 $0x40;
	s29 =	simm.s32 $0x0  }
.LBB2_2:
0x16: {  	p0 =	sne.s32 s28, $0x9DC0;
	[tilespmem:s29+$0x9800] =	vst v0;
	s29 =	smov.u32 s28;
	s28 =	sadd.s32 $0x40, s28  }
.Ltmp0:
0x17: {  	(pc) =	sbr.rel @p0 .LBB2_2-.Ltmp0, $2  }
0x18: {  	_ =	sdelay $0x2  }
0x19: {  	s29 =	sshra.s32 s29, $0x2  }
0x1a: {  	[tilespmem:s29+$0x9800] =	vst v0  }
0x1b: {  	[spmem:s8], [sflag:s6] =	dma.local [hbm:s5], $0x2780  }
0x1c: {  	_ =	swait.ge [sflag:s9], $0x2780  }
0x1d: {  	[sflag:s9] =	ssyncset.done $0x0  }
0x1e: {  	[sflag:s9] =	ssyncadd.s32 $0xFFFFD880  }
0x1f: {  	s28 =	simm.s32 $0x0;
	s29 =	simm.s32 $0x0;
	[bflag:$0x0] =	sbarrier.arrive $0xFFFF  }
.LBB2_4:
0x20: {  	s30 =	sshll.u32 s29, $0x8  }
0x21: {  	s30 =	sadd.s32 s30, s10  }
0x22: {  	[tilespmem:s28], [sflag:$0x3] =	stream.strided.gather [hbm4b:s30+s11], $0x1000, s12, s11, $0x38;
	[tilespmem:$0x1FB80] =	vst v63  }
0x23: {  	s30 =	sshll.u32 s29, $0x9;
	_ =	swait.ge [sflag:s9], $0x1000  }
0x24: {  	s30 =	sadd.s32 s30, s13;
	[sflag:s9] =	ssyncset.done $0x0  }
0x25: {  	s30 =	sadd.s32 $0x10, s30;
	[sflag:s9] =	ssyncadd.s32 $0xFFFFF000  }
0x26: {  	[tilespmem:s16], [sflag:$0x3] =	stream.strided.gather [hbm4b:s30+s14], $0x800, s15, s14, $0x38;
	[tilespmem:$0x1FB80] =	vst v63  }
0x27: {  	_ =	swait.ge [sflag:s9], $0x800  }
0x28: {  	[sflag:s9] =	ssyncset.done $0x0  }
0x29: {  	[sflag:s9] =	ssyncadd.s32 $0xFFFFF800  }
0x2a: {  	[tilespmem:s17], [sflag:$0x1] =	stream.indirect.gather [hbm4b:s4+s14], $0x80, s28, s14, $0xb8;
	[tilespmem:$0x1FB80] =	vst v63  }
0x2b: {  	s30 =	simm.s32 $0x0  }
0x2c: {  	[tilespmem:s18], [sflag:$0x2] =	stream.indirect.gather [hbm4b:s4+s14], $0x80, s14, s14, $0xb8;
	[tilespmem:$0x1FB80] =	vst v63  }
.LBB2_5:
0x2d: {  	_ =	swait.ge [sflag:s19], $0x4000  }
0x2e: {  	s31 =	sshra.s32 s30, $0x2;
	[sflag:s19] =	ssyncset.done $0x0  }
0x2f: {  	s0 =	sadd.s32 $0x800, s31;
	[sflag:s19] =	ssyncadd.s32 $0xFFFFC000  }
0x30: {  	[spmem:s1] =	stream.indirect.scatter.add.f32 [tilespmem:s17], [sflag:$0x3], $0x80, s0, s14, $0xb8;
	[tilespmem:$0x1FB80] =	vst v63  }
0x31: {  	_ =	swait.ge [sflag:s9], $0x4000  }
0x32: {  	[sflag:s9] =	ssyncset.done $0x0  }
0x33: {  	s0 =	sadd.s32 $0x100, s31;
	[sflag:s9] =	ssyncadd.s32 $0xFFFFC000  }
0x34: {  	[tilespmem:s17], [sflag:$0x1] =	stream.indirect.gather [hbm4b:s4+s14], $0x80, s0, s14, $0xb8;
	[tilespmem:$0x1FB80] =	vst v63  }
0x35: {  	v2 =	vld [tilespmem:s31+$0x1000];
	_ =	sdelay $0x7  }
0x36: {  	[tilespmem:v2+s20+$0x0] =	vst.idx.add.f32.msk $0xffff, v1  }
0x37: {  	v2 =	vld [tilespmem:s31+$0x1010];
	_ =	sdelay $0x7  }
0x38: {  	[tilespmem:v2+s20+$0x0] =	vst.idx.add.f32.msk $0xffff, v1  }
0x39: {  	v2 =	vld [tilespmem:s31+$0x1020];
	_ =	sdelay $0x7  }
0x3a: {  	[tilespmem:v2+s20+$0x0] =	vst.idx.add.f32.msk $0xffff, v1  }
0x3b: {  	v2 =	vld [tilespmem:s31+$0x1030];
	_ =	sdelay $0x7  }
0x3c: {  	[tilespmem:v2+s20+$0x0] =	vst.idx.add.f32.msk $0xffff, v1  }
0x3d: {  	v2 =	vld [tilespmem:s31+$0x1040];
	_ =	sdelay $0x7  }
0x3e: {  	[tilespmem:v2+s20+$0x0] =	vst.idx.add.f32.msk $0xffff, v1  }
0x3f: {  	v2 =	vld [tilespmem:s31+$0x1050];
	_ =	sdelay $0x7  }
0x40: {  	[tilespmem:v2+s20+$0x0] =	vst.idx.add.f32.msk $0xffff, v1  }
0x41: {  	v2 =	vld [tilespmem:s31+$0x1060];
	_ =	sdelay $0x7  }
0x42: {  	[tilespmem:v2+s20+$0x0] =	vst.idx.add.f32.msk $0xffff, v1  }
0x43: {  	v2 =	vld [tilespmem:s31+$0x1070];
	_ =	sdelay $0x7  }
0x44: {  	[tilespmem:v2+s20+$0x0] =	vst.idx.add.f32.msk $0xffff, v1  }
0x45: {  	_ =	swait.ge [sflag:s21], $0x4000  }
0x46: {  	[sflag:s21] =	ssyncset.done $0x0  }
0x47: {  	s0 =	sadd.s32 $0x880, s31;
	[sflag:s21] =	ssyncadd.s32 $0xFFFFC000  }
0x48: {  	[spmem:s1] =	stream.indirect.scatter.add.f32 [tilespmem:s18], [sflag:$0x3], $0x80, s0, s14, $0xb8;
	[tilespmem:$0x1FB80] =	vst v63  }
0x49: {  	_ =	swait.ge [sflag:s9], $0x4000  }
0x4a: {  	[sflag:s9] =	ssyncset.done $0x0  }
0x4b: {  	s0 =	sadd.s32 $0x180, s31;
	[sflag:s9] =	ssyncadd.s32 $0xFFFFC000  }
0x4c: {  	[tilespmem:s18], [sflag:$0x2] =	stream.indirect.gather [hbm4b:s4+s14], $0x80, s0, s14, $0xb8;
	[tilespmem:$0x1FB80] =	vst v63  }
0x4d: {  	v2 =	vld [tilespmem:s31+$0x1080];
	_ =	sdelay $0x7  }
0x4e: {  	[tilespmem:v2+s20+$0x0] =	vst.idx.add.f32.msk $0xffff, v1  }
0x4f: {  	v2 =	vld [tilespmem:s31+$0x1090];
	_ =	sdelay $0x7  }
0x50: {  	[tilespmem:v2+s20+$0x0] =	vst.idx.add.f32.msk $0xffff, v1  }
0x51: {  	v2 =	vld [tilespmem:s31+$0x10A0];
	_ =	sdelay $0x7  }
0x52: {  	[tilespmem:v2+s20+$0x0] =	vst.idx.add.f32.msk $0xffff, v1  }
0x53: {  	v2 =	vld [tilespmem:s31+$0x10B0];
	_ =	sdelay $0x7  }
0x54: {  	[tilespmem:v2+s20+$0x0] =	vst.idx.add.f32.msk $0xffff, v1  }
0x55: {  	v2 =	vld [tilespmem:s31+$0x10C0];
	_ =	sdelay $0x7  }
0x56: {  	[tilespmem:v2+s20+$0x0] =	vst.idx.add.f32.msk $0xffff, v1  }
0x57: {  	v2 =	vld [tilespmem:s31+$0x10D0];
	_ =	sdelay $0x7  }
0x58: {  	[tilespmem:v2+s20+$0x0] =	vst.idx.add.f32.msk $0xffff, v1  }
0x59: {  	v2 =	vld [tilespmem:s31+$0x10E0];
	_ =	sdelay $0x7  }
0x5a: {  	[tilespmem:v2+s20+$0x0] =	vst.idx.add.f32.msk $0xffff, v1  }
0x5b: {  	v2 =	vld [tilespmem:s31+$0x10F0];
	_ =	sdelay $0x2  }
0x5c: {  	p0 =	sne.s32 s30, $0x1800  }
.Ltmp1:
0x5d: {  	_ = 	snop;
	(pc) =	sbr.rel @p0 .LBB2_5-.Ltmp1, $2  }
0x5e: {  	_ =	sdelay $0x2  }
0x5f: {  	s30 =	sadd.s32 $0x400, s30;
	[tilespmem:v2+s20+$0x0] =	vst.idx.add.f32.msk $0xffff, v1  }
0x60: {  	_ =	swait.ge [sflag:s19], $0x4000  }
0x61: {  	[sflag:s19] =	ssyncset.done $0x0  }
0x62: {  	[sflag:s19] =	ssyncadd.s32 $0xFFFFC000  }
0x63: {  	[spmem:s1] =	stream.indirect.scatter.add.f32 [tilespmem:s17], [sflag:$0x3], $0x80, s23, s14, $0xb8;
	[tilespmem:$0x1FB80] =	vst v63  }
0x64: {  	_ =	swait.ge [sflag:s9], $0x4000  }
0x65: {  	[sflag:s9] =	ssyncset.done $0x0  }
0x66: {  	[sflag:s9] =	ssyncadd.s32 $0xFFFFC000  }
0x67: {  	v2 =	vld [tilespmem:$0x1700];
	_ =	sdelay $0x7  }
0x68: {  	[tilespmem:v2+s20+$0x0] =	vst.idx.add.f32.msk $0xffff, v1  }
0x69: {  	v2 =	vld [tilespmem:$0x1710];
	_ =	sdelay $0x7  }
0x6a: {  	[tilespmem:v2+s20+$0x0] =	vst.idx.add.f32.msk $0xffff, v1  }
0x6b: {  	v2 =	vld [tilespmem:$0x1720];
	_ =	sdelay $0x7  }
0x6c: {  	[tilespmem:v2+s20+$0x0] =	vst.idx.add.f32.msk $0xffff, v1  }
0x6d: {  	v2 =	vld [tilespmem:$0x1730];
	_ =	sdelay $0x7  }
0x6e: {  	[tilespmem:v2+s20+$0x0] =	vst.idx.add.f32.msk $0xffff, v1  }
0x6f: {  	v2 =	vld [tilespmem:$0x1740];
	_ =	sdelay $0x7  }
0x70: {  	[tilespmem:v2+s20+$0x0] =	vst.idx.add.f32.msk $0xffff, v1  }
0x71: {  	v2 =	vld [tilespmem:$0x1750];
	_ =	sdelay $0x7  }
0x72: {  	[tilespmem:v2+s20+$0x0] =	vst.idx.add.f32.msk $0xffff, v1  }
0x73: {  	v2 =	vld [tilespmem:$0x1760];
	_ =	sdelay $0x7  }
0x74: {  	[tilespmem:v2+s20+$0x0] =	vst.idx.add.f32.msk $0xffff, v1  }
0x75: {  	v2 =	vld [tilespmem:$0x1770];
	_ =	sdelay $0x7  }
0x76: {  	[tilespmem:v2+s20+$0x0] =	vst.idx.add.f32.msk $0xffff, v1  }
0x77: {  	_ =	swait.ge [sflag:s21], $0x4000  }
0x78: {  	[sflag:s21] =	ssyncset.done $0x0  }
0x79: {  	[sflag:s21] =	ssyncadd.s32 $0xFFFFC000  }
0x7a: {  	[spmem:s1] =	stream.indirect.scatter.add.f32 [tilespmem:s18], [sflag:$0x3], $0x80, s25, s14, $0xb8;
	[tilespmem:$0x1FB80] =	vst v63  }
0x7b: {  	_ =	swait.ge [sflag:s9], $0x4000  }
0x7c: {  	[sflag:s9] =	ssyncset.done $0x0  }
0x7d: {  	[sflag:s9] =	ssyncadd.s32 $0xFFFFC000  }
0x7e: {  	v2 =	vld [tilespmem:$0x1780];
	_ =	sdelay $0x7  }
0x7f: {  	[tilespmem:v2+s20+$0x0] =	vst.idx.add.f32.msk $0xffff, v1  }
0x80: {  	v2 =	vld [tilespmem:$0x1790];
	_ =	sdelay $0x7  }
0x81: {  	[tilespmem:v2+s20+$0x0] =	vst.idx.add.f32.msk $0xffff, v1  }
0x82: {  	v2 =	vld [tilespmem:$0x17A0];
	_ =	sdelay $0x7  }
0x83: {  	[tilespmem:v2+s20+$0x0] =	vst.idx.add.f32.msk $0xffff, v1  }
0x84: {  	v2 =	vld [tilespmem:$0x17B0];
	_ =	sdelay $0x7  }
0x85: {  	[tilespmem:v2+s20+$0x0] =	vst.idx.add.f32.msk $0xffff, v1  }
0x86: {  	v2 =	vld [tilespmem:$0x17C0];
	_ =	sdelay $0x7  }
0x87: {  	[tilespmem:v2+s20+$0x0] =	vst.idx.add.f32.msk $0xffff, v1  }
0x88: {  	v2 =	vld [tilespmem:$0x17D0];
	_ =	sdelay $0x7  }
0x89: {  	[tilespmem:v2+s20+$0x0] =	vst.idx.add.f32.msk $0xffff, v1  }
0x8a: {  	v2 =	vld [tilespmem:$0x17E0];
	_ =	sdelay $0x7  }
0x8b: {  	[tilespmem:v2+s20+$0x0] =	vst.idx.add.f32.msk $0xffff, v1  }
0x8c: {  	v2 =	vld [tilespmem:$0x17F0];
	_ =	sdelay $0x1  }
0x8d: {  	s29 =	sadd.s32 $0x1, s29  }
0x8e: {  	p0 =	sne.s32 s29, $0xA  }
.Ltmp2:
0x8f: {  	_ = 	snop;
	(pc) =	sbr.rel @p0 .LBB2_4-.Ltmp2, $2  }
0x90: {  	_ =	sdelay $0x2  }
0x91: {  	[tilespmem:v2+s20+$0x0] =	vst.idx.add.f32.msk $0xffff, v1  }
0x92: {  	[bflag:$0x0] =	sbarrier.arrive $0xFFFF  }
0x93: {  	[hbm:s22], [sflag:s6] =	dma.local [spmem:s8], $0x2780  }
0x94: {  	s2 =	sadd.s32 $0x1, s2;
	_ =	swait.ge [sflag:s9], $0x2780  }
0x95: {  	p0 =	sne.s32 s2, s7;
	[sflag:s9] =	ssyncset.done $0x0  }
.Ltmp3:
0x96: {  	[sflag:s9] =	ssyncadd.s32 $0xFFFFD880;
	(pc) =	sbr.rel @p0 .LBB2_1-.Ltmp3, $4  }
0x97: {  	[hbm4b:s24+s14] =	stream.strided.scatter [tilespmem:s20], [sflag:$0x3], $0x2780, s26, s14, $0x38;
	[tilespmem:$0x1FB80] =	vst v63  }
0x98: {  	_ =	swait.ge [sflag:s9], $0x2780  }
0x99: {  	[sflag:s9] =	ssyncset.done $0x0  }
0x9a: {  	[sflag:s9] =	ssyncadd.s32 $0xFFFFD880  }
0x9b: {  	_ =	sfence.sel $0x180000  }
0x9c: {  	[bflag:$0x0] =	sbarrier.arrive $0xFFFF  }
0x9d: {  	_ =	strace $0x90000047  }
0x9e: {  	[bflag:$0x2] =	sbarrier.arrive $0xFFFF  }
0x9f: {  	p0 =	sne.s32 s3, $0x0;
	s0 =	rddreg [dreg:$0x3]  }
0xa0: {  	s0 =	sadd.s32 @!p0 $0x100000, s0  }
0xa1: {  	[sflag:s0] =	ssyncadd.tile.s32 @!p0 $0x1;
	_ =	shalt  }
.Lfunc_end2:
_tile_overlayer_lowered:
.L_overlay_start_2:
0xa2: {  	(tag) =	ssettag $0x2  }
0xa3: {  	s0 =	rddreg [dreg:$0x0];
	s2 =	stileid.u32  }
0xa4: {  	s1 =	rddreg [dreg:$0x1];
	p0 =	sne.s32 s2, $0x0  }
0xa5: {  	s3 =	rddreg [dreg:$0x2];
	[bflag:$0x3] =	sbarrier.arrive $0xFFFF;
	s2 =	simm.s32 @!p0 $0x1C03  }
0xa6: {  	[timem:s3], [sflag:s2] =	dma.local @!p0 [hbm:s0], s1  }
0xa7: {  	s0 =	simm.s32 @!p0 $0x3  }
0xa8: {  	_ =	swait.ge @!p0 [sflag:s0], s1  }
0xa9: {  	s1 =	ssub.s32 @!p0 $0x0, s1;
	[sflag:s0] =	ssyncset.done @!p0 $0x0  }
0xaa: {  	[sflag:s0] =	ssyncadd.s32 @!p0 s1  }
0xab: {  	[bflag:$0x3] =	sbarrier.arrive $0xFFFF  }
0xac: {  	_ =	shalt  }

</sc_bundles>
